<compile_context>
chip_gen: v7x
topology: tpu7x:2x2x1
jax: 0.10.2.dev20260603
libtpu: 0.0.44.dev20260713+nightly
codegen_flags: <defaults>
</compile_context>

<pallas_src>
import functools

import jax
import jax.numpy as jnp
from jax import lax
from jax.experimental import pallas as pl
from jax.experimental.pallas import tpu as pltpu
from jax.experimental.pallas import tpu_sc as plsc

_B = 4
_S = 4096
_D = 128
_N = _B * _S


@functools.cache
def _gather_kernel():
    info = plsc.get_sparse_core_info()
    nw = info.num_cores * info.num_subcores
    per_w = _N // nw
    w_per_b = _S // per_w
    ch = 128
    n_ch = per_w // ch
    nbuf = 6
    ahead = 3
    ntask = 2 * n_ch
    mesh = plsc.VectorSubcoreMesh(core_axis_name="c", subcore_axis_name="s")

    @functools.partial(
        pl.kernel,
        mesh=mesh,
        out_type=[
            jax.ShapeDtypeStruct((_B, 1, _S, _D), jnp.float32),
            jax.ShapeDtypeStruct((_B, 1, _S, _D), jnp.float32),
        ],
        scratch_types=[
            pltpu.VMEM((per_w,), jnp.int32),
        ]
        + [pltpu.VMEM((ch, _D), jnp.float32) for _ in range(nbuf)]
        + [pltpu.SemaphoreType.DMA for _ in range(2 * nbuf)],
    )
    def k(cos_hbm, sin_hbm, idx_hbm, cos_out, sin_out, idx_v, *bufs_sems):
        bufs = bufs_sems[:nbuf]
        gsem = bufs_sems[nbuf:2 * nbuf]
        wsem = bufs_sems[2 * nbuf:]
        wid = lax.axis_index("s") * info.num_cores + lax.axis_index("c")
        b = wid // w_per_b
        s0 = (wid % w_per_b) * per_w

        def task(t):
            c = t // 2
            tab = cos_hbm if t % 2 == 0 else sin_hbm
            out = cos_out if t % 2 == 0 else sin_out
            return tab, out, pl.ds(c * ch, ch), pl.ds(s0 + c * ch, ch)

        def gcopy(t, bi):
            tab, _, in_sl, _ = task(t)
            return pltpu.make_async_copy(tab.at[idx_v.at[in_sl]], bufs[bi],
                                         gsem[bi])

        def wcopy(t, bi):
            _, out, _, out_sl = task(t)
            return pltpu.make_async_copy(bufs[bi], out.at[b, 0, out_sl, :],
                                         wsem[bi])

        pltpu.sync_copy(idx_hbm.at[b, pl.ds(s0, per_w)], idx_v)
        for t in range(ahead):
            gcopy(t, t % nbuf).start()
        for t in range(ntask):
            bi = t % nbuf
            gcopy(t, bi).wait()
            wcopy(t, bi).start()
            nt = t + ahead
            if nt < ntask:
                nb = nt % nbuf
                if nt >= nbuf:
                    wcopy(nt - nbuf, nb).wait()
                gcopy(nt, nb).start()
        for t in range(ntask - nbuf, ntask):
            wcopy(t, t % nbuf).wait()

    return k


@jax.jit
def kernel(x, position_ids, cos_cached, sin_cached):
    idx = position_ids.astype(jnp.int32)
    cos, sin = _gather_kernel()(cos_cached, sin_cached, idx)
    return (cos, sin)

# --- scband reference (transcript-rebuilt; emitter-appended) ---
"""Pipeline reference for scband-rotary-position-embedding-25580825215366 (READ-ONLY COPY).

The authoritative reference and input builder live on the scoring server;
editing this copy changes nothing except your own understanding.
"""

import jax, jax.numpy as jnp
import numpy as np

DIM = 128
MAX_SEQ_LEN = 8192
THETA = 500000.0

def _build_cache():
    inv_freq = 1.0 / (THETA ** (np.arange(0, DIM, 2).astype(np.float32) / DIM))
    t = np.arange(MAX_SEQ_LEN).astype(np.float32)
    freqs = np.outer(t, inv_freq)
    emb = np.concatenate((freqs, freqs), axis=-1)
    return jnp.asarray(np.cos(emb), dtype=jnp.float32), jnp.asarray(np.sin(emb), dtype=jnp.float32)

def setup_inputs(seed: int = 0) -> dict:
    key = jax.random.key(seed)
    k1, k2 = jax.random.split(key)
    x = jax.random.normal(k1, (4, 16, 4096, 128), dtype=jnp.float32)
    position_ids = jax.random.randint(k2, (4, 4096), 0, 4096, dtype=jnp.int64 if jax.config.jax_enable_x64 else jnp.int32)
    cos_cached, sin_cached = _build_cache()
    return {"x": x, "position_ids": position_ids, "cos_cached": cos_cached, "sin_cached": sin_cached}

def reference(x, position_ids, cos_cached, sin_cached):
    # F.embedding(position_ids, cache) == gather rows
    cos = jnp.take(cos_cached, position_ids, axis=0)  # [B, S, dim]
    sin = jnp.take(sin_cached, position_ids, axis=0)  # [B, S, dim]
    return (cos[:, None, :, :], sin[:, None, :, :])

if __name__ == "__main__":
    import jax
    _d = setup_inputs()
    print(jax.jit(kernel)(*tuple(_d.values())))

</pallas_src>

<mosaic_0001>
#map = affine_map<(d0, d1) -> (0, 0)>
#map1 = affine_map<(d0, d1) -> (0, 0, 0, 0)>
module attributes {stable_mosaic.version = 14 : i64} {
  func.func @k(%arg0: i32, %arg1: i32, %arg2: memref<8192x128xf32, #tpu.memory_space<hbm>>, %arg3: memref<8192x128xf32, #tpu.memory_space<hbm>>, %arg4: memref<4x4096xi32, #tpu.memory_space<hbm>>, %arg5: memref<4x1x4096x128xf32, #tpu.memory_space<hbm>>, %arg6: memref<4x1x4096x128xf32, #tpu.memory_space<hbm>>, %arg7: memref<512xi32, #tpu.memory_space<vmem>>, %arg8: memref<128x128xf32, #tpu.memory_space<vmem>>, %arg9: memref<128x128xf32, #tpu.memory_space<vmem>>, %arg10: memref<128x128xf32, #tpu.memory_space<vmem>>, %arg11: memref<128x128xf32, #tpu.memory_space<vmem>>, %arg12: memref<128x128xf32, #tpu.memory_space<vmem>>, %arg13: memref<128x128xf32, #tpu.memory_space<vmem>>, %arg14: memref<!tpu.dma_semaphore, #tpu.memory_space<semaphore_mem>>, %arg15: memref<!tpu.dma_semaphore, #tpu.memory_space<semaphore_mem>>, %arg16: memref<!tpu.dma_semaphore, #tpu.memory_space<semaphore_mem>>, %arg17: memref<!tpu.dma_semaphore, #tpu.memory_space<semaphore_mem>>, %arg18: memref<!tpu.dma_semaphore, #tpu.memory_space<semaphore_mem>>, %arg19: memref<!tpu.dma_semaphore, #tpu.memory_space<semaphore_mem>>, %arg20: memref<!tpu.dma_semaphore, #tpu.memory_space<semaphore_mem>>, %arg21: memref<!tpu.dma_semaphore, #tpu.memory_space<semaphore_mem>>, %arg22: memref<!tpu.dma_semaphore, #tpu.memory_space<semaphore_mem>>, %arg23: memref<!tpu.dma_semaphore, #tpu.memory_space<semaphore_mem>>, %arg24: memref<!tpu.dma_semaphore, #tpu.memory_space<semaphore_mem>>, %arg25: memref<!tpu.dma_semaphore, #tpu.memory_space<semaphore_mem>>) attributes {dimension_semantics = [#tpu.dimension_semantics<core_parallel>, #tpu.dimension_semantics<subcore_parallel>], iteration_bounds = array<i64: 2, 16>, scalar_prefetch = 0 : i64, scratch_operands = 19 : i64, tpu.core_type = #tpu.core_type<sc_vector_subcore>, window_params = [{transform_indices = #map}, {transform_indices = #map}, {transform_indices = #map}, {transform_indices = #map1}, {transform_indices = #map1}]} {
    %mul3A = arith.constant 2 : i32
    %mul3A_0 = arith.muli %arg1, %mul3A : i32
    %add3A = arith.addi %mul3A_0, %arg0 : i32
    %jit3A = arith.constant 8 : i32
    %div3A = arith.divsi %add3A, %jit3A : i32
    %sign3A = arith.constant 0 : i32
    %sign3A_1 = arith.cmpi sgt, %add3A, %sign3A : i32
    %sign3A_2 = arith.extui %sign3A_1 : i1 to i32
    %sign3A_3 = arith.constant 0 : i32
    %sign3A_4 = arith.cmpi slt, %add3A, %sign3A_3 : i32
    %sign3A_5 = arith.extui %sign3A_4 : i1 to i32
    %sign3A_6 = arith.subi %sign3A_2, %sign3A_5 : i32
    %sign3A_7 = arith.constant 0 : i32
    %sign3A_8 = arith.cmpi sgt, %jit3A, %sign3A_7 : i32
    %sign3A_9 = arith.extui %sign3A_8 : i1 to i32
    %sign3A_10 = arith.constant 0 : i32
    %sign3A_11 = arith.cmpi slt, %jit3A, %sign3A_10 : i32
    %sign3A_12 = arith.extui %sign3A_11 : i1 to i32
    %sign3A_13 = arith.subi %sign3A_9, %sign3A_12 : i32
    %ne3A = arith.cmpi ne, %sign3A_6, %sign3A_13 : i32
    %rem3A = arith.remsi %add3A, %jit3A : i32
    %ne3A_14 = arith.constant 0 : i32
    %ne3A_15 = arith.cmpi ne, %rem3A, %ne3A_14 : i32
    %and3A = arith.andi %ne3A, %ne3A_15 : i1
    %sub3A = arith.constant 1 : i32
    %sub3A_16 = arith.subi %div3A, %sub3A : i32
    %select_n3A = arith.select %and3A, %sub3A_16, %div3A : i32
    %jit3A_17 = arith.constant 8 : i32
    %eq3A = arith.constant 0 : i32
    %eq3A_18 = arith.cmpi eq, %jit3A_17, %eq3A : i32
    %jit3A_19 = arith.constant 1 : i32
    %select_n3A_20 = arith.select %eq3A_18, %jit3A_19, %jit3A_17 : i32
    %rem3A_21 = arith.remsi %add3A, %select_n3A_20 : i32
    %ne3A_22 = arith.constant 0 : i32
    %ne3A_23 = arith.cmpi ne, %rem3A_21, %ne3A_22 : i32
    %lt3A = arith.constant 0 : i32
    %lt3A_24 = arith.cmpi slt, %rem3A_21, %lt3A : i32
    %lt3A_25 = arith.constant 0 : i32
    %lt3A_26 = arith.cmpi slt, %select_n3A_20, %lt3A_25 : i32
    %ne3A_27 = arith.xori %lt3A_24, %lt3A_26 : i1
    %and3A_28 = arith.andi %ne3A_27, %ne3A_23 : i1
    %add3A_29 = arith.addi %rem3A_21, %select_n3A_20 : i32
    %select_n3A_30 = arith.select %and3A_28, %add3A_29, %rem3A_21 : i32
    %mul3A_31 = arith.constant 512 : i32
    %mul3A_32 = arith.muli %select_n3A_30, %mul3A_31 : i32
    "tpu.region"() ({
      %run_scoped3A = tpu.sem_alloc : memref<!tpu.dma_semaphore, #tpu.memory_space<semaphore_mem>>
      %dma_start3A_287 = tpu.memref_slice %arg4[%select_n3A, %mul3A_32] : memref<4x4096xi32, #tpu.memory_space<hbm>> -> memref<1x512xi32, #tpu.memory_space<hbm>>
      %dma_start3A_288 = tpu.memref_squeeze %dma_start3A_287 : memref<1x512xi32, #tpu.memory_space<hbm>> -> memref<512xi32, #tpu.memory_space<hbm>>
      %dma_start3A_289 = tpu.memref_slice %arg4[%select_n3A, %mul3A_32] : memref<4x4096xi32, #tpu.memory_space<hbm>> -> memref<1x512xi32, #tpu.memory_space<hbm>>
      %dma_start3A_290 = tpu.memref_squeeze %dma_start3A_289 : memref<1x512xi32, #tpu.memory_space<hbm>> -> memref<512xi32, #tpu.memory_space<hbm>>
      tpu.enqueue_dma source(%dma_start3A_290 : memref<512xi32, #tpu.memory_space<hbm>>) target(%arg7 : memref<512xi32, #tpu.memory_space<vmem>>) target_semaphore(%run_scoped3A : memref<!tpu.dma_semaphore, #tpu.memory_space<semaphore_mem>>)
      %dma_wait3A_291 = tpu.memref_slice %arg4[%select_n3A, %mul3A_32] : memref<4x4096xi32, #tpu.memory_space<hbm>> -> memref<1x512xi32, #tpu.memory_space<hbm>>
      %dma_wait3A_292 = tpu.memref_squeeze %dma_wait3A_291 : memref<1x512xi32, #tpu.memory_space<hbm>> -> memref<512xi32, #tpu.memory_space<hbm>>
      %dma_wait3A_293 = tpu.memref_slice %arg4[%select_n3A, %mul3A_32] : memref<4x4096xi32, #tpu.memory_space<hbm>> -> memref<1x512xi32, #tpu.memory_space<hbm>>
      %dma_wait3A_294 = tpu.memref_squeeze %dma_wait3A_293 : memref<1x512xi32, #tpu.memory_space<hbm>> -> memref<512xi32, #tpu.memory_space<hbm>>
      tpu.wait_dma2 semaphore(%run_scoped3A : memref<!tpu.dma_semaphore, #tpu.memory_space<semaphore_mem>>) src(%dma_wait3A_294 : memref<512xi32, #tpu.memory_space<hbm>>) dst(%arg7 : memref<512xi32, #tpu.memory_space<vmem>>)
      tpu.yield
    }) : () -> ()
    %add3A_33 = arith.constant 0 : i32
    %add3A_34 = arith.addi %mul3A_32, %add3A_33 : i32
    %dma_start3A = arith.constant 0 : i32
    %dma_start3A_35 = tpu.memref_slice %arg7[%dma_start3A] : memref<512xi32, #tpu.memory_space<vmem>> -> memref<128xi32, #tpu.memory_space<vmem>>
    %dma_start3A_36 = arith.constant 0 : i32
    %dma_start3A_37 = arith.constant 0 : i32
    %dma_start3A_38 = tpu.memref_slice %arg2[%dma_start3A_36, %dma_start3A_37] : memref<8192x128xf32, #tpu.memory_space<hbm>> -> memref<8192x128xf32, #tpu.memory_space<hbm>>
    tpu.enqueue_indirect_dma source(%dma_start3A_38 : memref<8192x128xf32, #tpu.memory_space<hbm>>) target(%arg8 : memref<128x128xf32, #tpu.memory_space<vmem>>) offsets(%dma_start3A_35 : memref<128xi32, #tpu.memory_space<vmem>>) semaphore(%arg14 : memref<!tpu.dma_semaphore, #tpu.memory_space<semaphore_mem>>)
    %add3A_39 = arith.constant 0 : i32
    %add3A_40 = arith.addi %mul3A_32, %add3A_39 : i32
    %dma_start3A_41 = arith.constant 0 : i32
    %dma_start3A_42 = tpu.memref_slice %arg7[%dma_start3A_41] : memref<512xi32, #tpu.memory_space<vmem>> -> memref<128xi32, #tpu.memory_space<vmem>>
    %dma_start3A_43 = arith.constant 0 : i32
    %dma_start3A_44 = arith.constant 0 : i32
    %dma_start3A_45 = tpu.memref_slice %arg3[%dma_start3A_43, %dma_start3A_44] : memref<8192x128xf32, #tpu.memory_space<hbm>> -> memref<8192x128xf32, #tpu.memory_space<hbm>>
    tpu.enqueue_indirect_dma source(%dma_start3A_45 : memref<8192x128xf32, #tpu.memory_space<hbm>>) target(%arg9 : memref<128x128xf32, #tpu.memory_space<vmem>>) offsets(%dma_start3A_42 : memref<128xi32, #tpu.memory_space<vmem>>) semaphore(%arg15 : memref<!tpu.dma_semaphore, #tpu.memory_space<semaphore_mem>>)
    %add3A_46 = arith.constant 128 : i32
    %add3A_47 = arith.addi %mul3A_32, %add3A_46 : i32
    %dma_start3A_48 = arith.constant 128 : i32
    %dma_start3A_49 = tpu.memref_slice %arg7[%dma_start3A_48] : memref<512xi32, #tpu.memory_space<vmem>> -> memref<128xi32, #tpu.memory_space<vmem>>
    %dma_start3A_50 = arith.constant 0 : i32
    %dma_start3A_51 = arith.constant 0 : i32
    %dma_start3A_52 = tpu.memref_slice %arg2[%dma_start3A_50, %dma_start3A_51] : memref<8192x128xf32, #tpu.memory_space<hbm>> -> memref<8192x128xf32, #tpu.memory_space<hbm>>
    tpu.enqueue_indirect_dma source(%dma_start3A_52 : memref<8192x128xf32, #tpu.memory_space<hbm>>) target(%arg10 : memref<128x128xf32, #tpu.memory_space<vmem>>) offsets(%dma_start3A_49 : memref<128xi32, #tpu.memory_space<vmem>>) semaphore(%arg16 : memref<!tpu.dma_semaphore, #tpu.memory_space<semaphore_mem>>)
    %add3A_53 = arith.constant 0 : i32
    %add3A_54 = arith.addi %mul3A_32, %add3A_53 : i32
    %dma_wait3A = arith.constant 0 : i32
    %dma_wait3A_55 = tpu.memref_slice %arg7[%dma_wait3A] : memref<512xi32, #tpu.memory_space<vmem>> -> memref<128xi32, #tpu.memory_space<vmem>>
    %dma_wait3A_56 = arith.constant 0 : i32
    %dma_wait3A_57 = arith.constant 0 : i32
    %dma_wait3A_58 = tpu.memref_slice %arg2[%dma_wait3A_56, %dma_wait3A_57] : memref<8192x128xf32, #tpu.memory_space<hbm>> -> memref<8192x128xf32, #tpu.memory_space<hbm>>
    tpu.wait_indirect_dma semaphore(%arg14 : memref<!tpu.dma_semaphore, #tpu.memory_space<semaphore_mem>>) src(%dma_wait3A_58 : memref<8192x128xf32, #tpu.memory_space<hbm>>) dst(%arg8 : memref<128x128xf32, #tpu.memory_space<vmem>>)
    %add3A_59 = arith.constant 0 : i32
    %add3A_60 = arith.addi %mul3A_32, %add3A_59 : i32
    %dma_start3A_61 = arith.constant 0 : i32
    %dma_start3A_62 = arith.constant 0 : i32
    %dma_start3A_63 = tpu.memref_slice %arg5[%select_n3A, %dma_start3A_61, %add3A_60, %dma_start3A_62] : memref<4x1x4096x128xf32, #tpu.memory_space<hbm>> -> memref<1x1x128x128xf32, #tpu.memory_space<hbm>>
    %dma_start3A_64 = tpu.memref_squeeze %dma_start3A_63 : memref<1x1x128x128xf32, #tpu.memory_space<hbm>> -> memref<128x128xf32, #tpu.memory_space<hbm>>
    %dma_start3A_65 = arith.constant 0 : i32
    %dma_start3A_66 = tpu.memref_slice %arg5[%select_n3A, %dma_start3A_61, %add3A_60, %dma_start3A_65] : memref<4x1x4096x128xf32, #tpu.memory_space<hbm>> -> memref<1x1x128x128xf32, #tpu.memory_space<hbm>>
    %dma_start3A_67 = tpu.memref_squeeze %dma_start3A_66 : memref<1x1x128x128xf32, #tpu.memory_space<hbm>> -> memref<128x128xf32, #tpu.memory_space<hbm>>
    tpu.enqueue_dma source(%arg8 : memref<128x128xf32, #tpu.memory_space<vmem>>) target(%dma_start3A_67 : memref<128x128xf32, #tpu.memory_space<hbm>>) target_semaphore(%arg20 : memref<!tpu.dma_semaphore, #tpu.memory_space<semaphore_mem>>)
    %add3A_68 = arith.constant 128 : i32
    %add3A_69 = arith.addi %mul3A_32, %add3A_68 : i32
    %dma_start3A_70 = arith.constant 128 : i32
    %dma_start3A_71 = tpu.memref_slice %arg7[%dma_start3A_70] : memref<512xi32, #tpu.memory_space<vmem>> -> memref<128xi32, #tpu.memory_space<vmem>>
    %dma_start3A_72 = arith.constant 0 : i32
    %dma_start3A_73 = arith.constant 0 : i32
    %dma_start3A_74 = tpu.memref_slice %arg3[%dma_start3A_72, %dma_start3A_73] : memref<8192x128xf32, #tpu.memory_space<hbm>> -> memref<8192x128xf32, #tpu.memory_space<hbm>>
    tpu.enqueue_indirect_dma source(%dma_start3A_74 : memref<8192x128xf32, #tpu.memory_space<hbm>>) target(%arg11 : memref<128x128xf32, #tpu.memory_space<vmem>>) offsets(%dma_start3A_71 : memref<128xi32, #tpu.memory_space<vmem>>) semaphore(%arg17 : memref<!tpu.dma_semaphore, #tpu.memory_space<semaphore_mem>>)
    %add3A_75 = arith.constant 0 : i32
    %add3A_76 = arith.addi %mul3A_32, %add3A_75 : i32
    %dma_wait3A_77 = arith.constant 0 : i32
    %dma_wait3A_78 = tpu.memref_slice %arg7[%dma_wait3A_77] : memref<512xi32, #tpu.memory_space<vmem>> -> memref<128xi32, #tpu.memory_space<vmem>>
    %dma_wait3A_79 = arith.constant 0 : i32
    %dma_wait3A_80 = arith.constant 0 : i32
    %dma_wait3A_81 = tpu.memref_slice %arg3[%dma_wait3A_79, %dma_wait3A_80] : memref<8192x128xf32, #tpu.memory_space<hbm>> -> memref<8192x128xf32, #tpu.memory_space<hbm>>
    tpu.wait_indirect_dma semaphore(%arg15 : memref<!tpu.dma_semaphore, #tpu.memory_space<semaphore_mem>>) src(%dma_wait3A_81 : memref<8192x128xf32, #tpu.memory_space<hbm>>) dst(%arg9 : memref<128x128xf32, #tpu.memory_space<vmem>>)
    %add3A_82 = arith.constant 0 : i32
    %add3A_83 = arith.addi %mul3A_32, %add3A_82 : i32
    %dma_start3A_84 = arith.constant 0 : i32
    %dma_start3A_85 = arith.constant 0 : i32
    %dma_start3A_86 = tpu.memref_slice %arg6[%select_n3A, %dma_start3A_84, %add3A_83, %dma_start3A_85] : memref<4x1x4096x128xf32, #tpu.memory_space<hbm>> -> memref<1x1x128x128xf32, #tpu.memory_space<hbm>>
    %dma_start3A_87 = tpu.memref_squeeze %dma_start3A_86 : memref<1x1x128x128xf32, #tpu.memory_space<hbm>> -> memref<128x128xf32, #tpu.memory_space<hbm>>
    %dma_start3A_88 = arith.constant 0 : i32
    %dma_start3A_89 = tpu.memref_slice %arg6[%select_n3A, %dma_start3A_84, %add3A_83, %dma_start3A_88] : memref<4x1x4096x128xf32, #tpu.memory_space<hbm>> -> memref<1x1x128x128xf32, #tpu.memory_space<hbm>>
    %dma_start3A_90 = tpu.memref_squeeze %dma_start3A_89 : memref<1x1x128x128xf32, #tpu.memory_space<hbm>> -> memref<128x128xf32, #tpu.memory_space<hbm>>
    tpu.enqueue_dma source(%arg9 : memref<128x128xf32, #tpu.memory_space<vmem>>) target(%dma_start3A_90 : memref<128x128xf32, #tpu.memory_space<hbm>>) target_semaphore(%arg21 : memref<!tpu.dma_semaphore, #tpu.memory_space<semaphore_mem>>)
    %add3A_91 = arith.constant 256 : i32
    %add3A_92 = arith.addi %mul3A_32, %add3A_91 : i32
    %dma_start3A_93 = arith.constant 256 : i32
    %dma_start3A_94 = tpu.memref_slice %arg7[%dma_start3A_93] : memref<512xi32, #tpu.memory_space<vmem>> -> memref<128xi32, #tpu.memory_space<vmem>>
    %dma_start3A_95 = arith.constant 0 : i32
    %dma_start3A_96 = arith.constant 0 : i32
    %dma_start3A_97 = tpu.memref_slice %arg2[%dma_start3A_95, %dma_start3A_96] : memref<8192x128xf32, #tpu.memory_space<hbm>> -> memref<8192x128xf32, #tpu.memory_space<hbm>>
    tpu.enqueue_indirect_dma source(%dma_start3A_97 : memref<8192x128xf32, #tpu.memory_space<hbm>>) target(%arg12 : memref<128x128xf32, #tpu.memory_space<vmem>>) offsets(%dma_start3A_94 : memref<128xi32, #tpu.memory_space<vmem>>) semaphore(%arg18 : memref<!tpu.dma_semaphore, #tpu.memory_space<semaphore_mem>>)
    %add3A_98 = arith.constant 128 : i32
    %add3A_99 = arith.addi %mul3A_32, %add3A_98 : i32
    %dma_wait3A_100 = arith.constant 128 : i32
    %dma_wait3A_101 = tpu.memref_slice %arg7[%dma_wait3A_100] : memref<512xi32, #tpu.memory_space<vmem>> -> memref<128xi32, #tpu.memory_space<vmem>>
    %dma_wait3A_102 = arith.constant 0 : i32
    %dma_wait3A_103 = arith.constant 0 : i32
    %dma_wait3A_104 = tpu.memref_slice %arg2[%dma_wait3A_102, %dma_wait3A_103] : memref<8192x128xf32, #tpu.memory_space<hbm>> -> memref<8192x128xf32, #tpu.memory_space<hbm>>
    tpu.wait_indirect_dma semaphore(%arg16 : memref<!tpu.dma_semaphore, #tpu.memory_space<semaphore_mem>>) src(%dma_wait3A_104 : memref<8192x128xf32, #tpu.memory_space<hbm>>) dst(%arg10 : memref<128x128xf32, #tpu.memory_space<vmem>>)
    %add3A_105 = arith.constant 128 : i32
    %add3A_106 = arith.addi %mul3A_32, %add3A_105 : i32
    %dma_start3A_107 = arith.constant 0 : i32
    %dma_start3A_108 = arith.constant 0 : i32
    %dma_start3A_109 = tpu.memref_slice %arg5[%select_n3A, %dma_start3A_107, %add3A_106, %dma_start3A_108] : memref<4x1x4096x128xf32, #tpu.memory_space<hbm>> -> memref<1x1x128x128xf32, #tpu.memory_space<hbm>>
    %dma_start3A_110 = tpu.memref_squeeze %dma_start3A_109 : memref<1x1x128x128xf32, #tpu.memory_space<hbm>> -> memref<128x128xf32, #tpu.memory_space<hbm>>
    %dma_start3A_111 = arith.constant 0 : i32
    %dma_start3A_112 = tpu.memref_slice %arg5[%select_n3A, %dma_start3A_107, %add3A_106, %dma_start3A_111] : memref<4x1x4096x128xf32, #tpu.memory_space<hbm>> -> memref<1x1x128x128xf32, #tpu.memory_space<hbm>>
    %dma_start3A_113 = tpu.memref_squeeze %dma_start3A_112 : memref<1x1x128x128xf32, #tpu.memory_space<hbm>> -> memref<128x128xf32, #tpu.memory_space<hbm>>
    tpu.enqueue_dma source(%arg10 : memref<128x128xf32, #tpu.memory_space<vmem>>) target(%dma_start3A_113 : memref<128x128xf32, #tpu.memory_space<hbm>>) target_semaphore(%arg22 : memref<!tpu.dma_semaphore, #tpu.memory_space<semaphore_mem>>)
    %add3A_114 = arith.constant 256 : i32
    %add3A_115 = arith.addi %mul3A_32, %add3A_114 : i32
    %dma_start3A_116 = arith.constant 256 : i32
    %dma_start3A_117 = tpu.memref_slice %arg7[%dma_start3A_116] : memref<512xi32, #tpu.memory_space<vmem>> -> memref<128xi32, #tpu.memory_space<vmem>>
    %dma_start3A_118 = arith.constant 0 : i32
    %dma_start3A_119 = arith.constant 0 : i32
    %dma_start3A_120 = tpu.memref_slice %arg3[%dma_start3A_118, %dma_start3A_119] : memref<8192x128xf32, #tpu.memory_space<hbm>> -> memref<8192x128xf32, #tpu.memory_space<hbm>>
    tpu.enqueue_indirect_dma source(%dma_start3A_120 : memref<8192x128xf32, #tpu.memory_space<hbm>>) target(%arg13 : memref<128x128xf32, #tpu.memory_space<vmem>>) offsets(%dma_start3A_117 : memref<128xi32, #tpu.memory_space<vmem>>) semaphore(%arg19 : memref<!tpu.dma_semaphore, #tpu.memory_space<semaphore_mem>>)
    %add3A_121 = arith.constant 128 : i32
    %add3A_122 = arith.addi %mul3A_32, %add3A_121 : i32
    %dma_wait3A_123 = arith.constant 128 : i32
    %dma_wait3A_124 = tpu.memref_slice %arg7[%dma_wait3A_123] : memref<512xi32, #tpu.memory_space<vmem>> -> memref<128xi32, #tpu.memory_space<vmem>>
    %dma_wait3A_125 = arith.constant 0 : i32
    %dma_wait3A_126 = arith.constant 0 : i32
    %dma_wait3A_127 = tpu.memref_slice %arg3[%dma_wait3A_125, %dma_wait3A_126] : memref<8192x128xf32, #tpu.memory_space<hbm>> -> memref<8192x128xf32, #tpu.memory_space<hbm>>
    tpu.wait_indirect_dma semaphore(%arg17 : memref<!tpu.dma_semaphore, #tpu.memory_space<semaphore_mem>>) src(%dma_wait3A_127 : memref<8192x128xf32, #tpu.memory_space<hbm>>) dst(%arg11 : memref<128x128xf32, #tpu.memory_space<vmem>>)
    %add3A_128 = arith.constant 128 : i32
    %add3A_129 = arith.addi %mul3A_32, %add3A_128 : i32
    %dma_start3A_130 = arith.constant 0 : i32
    %dma_start3A_131 = arith.constant 0 : i32
    %dma_start3A_132 = tpu.memref_slice %arg6[%select_n3A, %dma_start3A_130, %add3A_129, %dma_start3A_131] : memref<4x1x4096x128xf32, #tpu.memory_space<hbm>> -> memref<1x1x128x128xf32, #tpu.memory_space<hbm>>
    %dma_start3A_133 = tpu.memref_squeeze %dma_start3A_132 : memref<1x1x128x128xf32, #tpu.memory_space<hbm>> -> memref<128x128xf32, #tpu.memory_space<hbm>>
    %dma_start3A_134 = arith.constant 0 : i32
    %dma_start3A_135 = tpu.memref_slice %arg6[%select_n3A, %dma_start3A_130, %add3A_129, %dma_start3A_134] : memref<4x1x4096x128xf32, #tpu.memory_space<hbm>> -> memref<1x1x128x128xf32, #tpu.memory_space<hbm>>
    %dma_start3A_136 = tpu.memref_squeeze %dma_start3A_135 : memref<1x1x128x128xf32, #tpu.memory_space<hbm>> -> memref<128x128xf32, #tpu.memory_space<hbm>>
    tpu.enqueue_dma source(%arg11 : memref<128x128xf32, #tpu.memory_space<vmem>>) target(%dma_start3A_136 : memref<128x128xf32, #tpu.memory_space<hbm>>) target_semaphore(%arg23 : memref<!tpu.dma_semaphore, #tpu.memory_space<semaphore_mem>>)
    %add3A_137 = arith.constant 0 : i32
    %add3A_138 = arith.addi %mul3A_32, %add3A_137 : i32
    %dma_wait3A_139 = arith.constant 0 : i32
    %dma_wait3A_140 = arith.constant 0 : i32
    %dma_wait3A_141 = tpu.memref_slice %arg5[%select_n3A, %dma_wait3A_139, %add3A_138, %dma_wait3A_140] : memref<4x1x4096x128xf32, #tpu.memory_space<hbm>> -> memref<1x1x128x128xf32, #tpu.memory_space<hbm>>
    %dma_wait3A_142 = tpu.memref_squeeze %dma_wait3A_141 : memref<1x1x128x128xf32, #tpu.memory_space<hbm>> -> memref<128x128xf32, #tpu.memory_space<hbm>>
    %dma_wait3A_143 = arith.constant 0 : i32
    %dma_wait3A_144 = tpu.memref_slice %arg5[%select_n3A, %dma_wait3A_139, %add3A_138, %dma_wait3A_143] : memref<4x1x4096x128xf32, #tpu.memory_space<hbm>> -> memref<1x1x128x128xf32, #tpu.memory_space<hbm>>
    %dma_wait3A_145 = tpu.memref_squeeze %dma_wait3A_144 : memref<1x1x128x128xf32, #tpu.memory_space<hbm>> -> memref<128x128xf32, #tpu.memory_space<hbm>>
    tpu.wait_dma2 semaphore(%arg20 : memref<!tpu.dma_semaphore, #tpu.memory_space<semaphore_mem>>) src(%arg8 : memref<128x128xf32, #tpu.memory_space<vmem>>) dst(%dma_wait3A_145 : memref<128x128xf32, #tpu.memory_space<hbm>>)
    %add3A_146 = arith.constant 384 : i32
    %add3A_147 = arith.addi %mul3A_32, %add3A_146 : i32
    %dma_start3A_148 = arith.constant 384 : i32
    %dma_start3A_149 = tpu.memref_slice %arg7[%dma_start3A_148] : memref<512xi32, #tpu.memory_space<vmem>> -> memref<128xi32, #tpu.memory_space<vmem>>
    %dma_start3A_150 = arith.constant 0 : i32
    %dma_start3A_151 = arith.constant 0 : i32
    %dma_start3A_152 = tpu.memref_slice %arg2[%dma_start3A_150, %dma_start3A_151] : memref<8192x128xf32, #tpu.memory_space<hbm>> -> memref<8192x128xf32, #tpu.memory_space<hbm>>
    tpu.enqueue_indirect_dma source(%dma_start3A_152 : memref<8192x128xf32, #tpu.memory_space<hbm>>) target(%arg8 : memref<128x128xf32, #tpu.memory_space<vmem>>) offsets(%dma_start3A_149 : memref<128xi32, #tpu.memory_space<vmem>>) semaphore(%arg14 : memref<!tpu.dma_semaphore, #tpu.memory_space<semaphore_mem>>)
    %add3A_153 = arith.constant 256 : i32
    %add3A_154 = arith.addi %mul3A_32, %add3A_153 : i32
    %dma_wait3A_155 = arith.constant 256 : i32
    %dma_wait3A_156 = tpu.memref_slice %arg7[%dma_wait3A_155] : memref<512xi32, #tpu.memory_space<vmem>> -> memref<128xi32, #tpu.memory_space<vmem>>
    %dma_wait3A_157 = arith.constant 0 : i32
    %dma_wait3A_158 = arith.constant 0 : i32
    %dma_wait3A_159 = tpu.memref_slice %arg2[%dma_wait3A_157, %dma_wait3A_158] : memref<8192x128xf32, #tpu.memory_space<hbm>> -> memref<8192x128xf32, #tpu.memory_space<hbm>>
    tpu.wait_indirect_dma semaphore(%arg18 : memref<!tpu.dma_semaphore, #tpu.memory_space<semaphore_mem>>) src(%dma_wait3A_159 : memref<8192x128xf32, #tpu.memory_space<hbm>>) dst(%arg12 : memref<128x128xf32, #tpu.memory_space<vmem>>)
    %add3A_160 = arith.constant 256 : i32
    %add3A_161 = arith.addi %mul3A_32, %add3A_160 : i32
    %dma_start3A_162 = arith.constant 0 : i32
    %dma_start3A_163 = arith.constant 0 : i32
    %dma_start3A_164 = tpu.memref_slice %arg5[%select_n3A, %dma_start3A_162, %add3A_161, %dma_start3A_163] : memref<4x1x4096x128xf32, #tpu.memory_space<hbm>> -> memref<1x1x128x128xf32, #tpu.memory_space<hbm>>
    %dma_start3A_165 = tpu.memref_squeeze %dma_start3A_164 : memref<1x1x128x128xf32, #tpu.memory_space<hbm>> -> memref<128x128xf32, #tpu.memory_space<hbm>>
    %dma_start3A_166 = arith.constant 0 : i32
    %dma_start3A_167 = tpu.memref_slice %arg5[%select_n3A, %dma_start3A_162, %add3A_161, %dma_start3A_166] : memref<4x1x4096x128xf32, #tpu.memory_space<hbm>> -> memref<1x1x128x128xf32, #tpu.memory_space<hbm>>
    %dma_start3A_168 = tpu.memref_squeeze %dma_start3A_167 : memref<1x1x128x128xf32, #tpu.memory_space<hbm>> -> memref<128x128xf32, #tpu.memory_space<hbm>>
    tpu.enqueue_dma source(%arg12 : memref<128x128xf32, #tpu.memory_space<vmem>>) target(%dma_start3A_168 : memref<128x128xf32, #tpu.memory_space<hbm>>) target_semaphore(%arg24 : memref<!tpu.dma_semaphore, #tpu.memory_space<semaphore_mem>>)
    %add3A_169 = arith.constant 0 : i32
    %add3A_170 = arith.addi %mul3A_32, %add3A_169 : i32
    %dma_wait3A_171 = arith.constant 0 : i32
    %dma_wait3A_172 = arith.constant 0 : i32
    %dma_wait3A_173 = tpu.memref_slice %arg6[%select_n3A, %dma_wait3A_171, %add3A_170, %dma_wait3A_172] : memref<4x1x4096x128xf32, #tpu.memory_space<hbm>> -> memref<1x1x128x128xf32, #tpu.memory_space<hbm>>
    %dma_wait3A_174 = tpu.memref_squeeze %dma_wait3A_173 : memref<1x1x128x128xf32, #tpu.memory_space<hbm>> -> memref<128x128xf32, #tpu.memory_space<hbm>>
    %dma_wait3A_175 = arith.constant 0 : i32
    %dma_wait3A_176 = tpu.memref_slice %arg6[%select_n3A, %dma_wait3A_171, %add3A_170, %dma_wait3A_175] : memref<4x1x4096x128xf32, #tpu.memory_space<hbm>> -> memref<1x1x128x128xf32, #tpu.memory_space<hbm>>
    %dma_wait3A_177 = tpu.memref_squeeze %dma_wait3A_176 : memref<1x1x128x128xf32, #tpu.memory_space<hbm>> -> memref<128x128xf32, #tpu.memory_space<hbm>>
    tpu.wait_dma2 semaphore(%arg21 : memref<!tpu.dma_semaphore, #tpu.memory_space<semaphore_mem>>) src(%arg9 : memref<128x128xf32, #tpu.memory_space<vmem>>) dst(%dma_wait3A_177 : memref<128x128xf32, #tpu.memory_space<hbm>>)
    %add3A_178 = arith.constant 384 : i32
    %add3A_179 = arith.addi %mul3A_32, %add3A_178 : i32
    %dma_start3A_180 = arith.constant 384 : i32
    %dma_start3A_181 = tpu.memref_slice %arg7[%dma_start3A_180] : memref<512xi32, #tpu.memory_space<vmem>> -> memref<128xi32, #tpu.memory_space<vmem>>
    %dma_start3A_182 = arith.constant 0 : i32
    %dma_start3A_183 = arith.constant 0 : i32
    %dma_start3A_184 = tpu.memref_slice %arg3[%dma_start3A_182, %dma_start3A_183] : memref<8192x128xf32, #tpu.memory_space<hbm>> -> memref<8192x128xf32, #tpu.memory_space<hbm>>
    tpu.enqueue_indirect_dma source(%dma_start3A_184 : memref<8192x128xf32, #tpu.memory_space<hbm>>) target(%arg9 : memref<128x128xf32, #tpu.memory_space<vmem>>) offsets(%dma_start3A_181 : memref<128xi32, #tpu.memory_space<vmem>>) semaphore(%arg15 : memref<!tpu.dma_semaphore, #tpu.memory_space<semaphore_mem>>)
    %add3A_185 = arith.constant 256 : i32
    %add3A_186 = arith.addi %mul3A_32, %add3A_185 : i32
    %dma_wait3A_187 = arith.constant 256 : i32
    %dma_wait3A_188 = tpu.memref_slice %arg7[%dma_wait3A_187] : memref<512xi32, #tpu.memory_space<vmem>> -> memref<128xi32, #tpu.memory_space<vmem>>
    %dma_wait3A_189 = arith.constant 0 : i32
    %dma_wait3A_190 = arith.constant 0 : i32
    %dma_wait3A_191 = tpu.memref_slice %arg3[%dma_wait3A_189, %dma_wait3A_190] : memref<8192x128xf32, #tpu.memory_space<hbm>> -> memref<8192x128xf32, #tpu.memory_space<hbm>>
    tpu.wait_indirect_dma semaphore(%arg19 : memref<!tpu.dma_semaphore, #tpu.memory_space<semaphore_mem>>) src(%dma_wait3A_191 : memref<8192x128xf32, #tpu.memory_space<hbm>>) dst(%arg13 : memref<128x128xf32, #tpu.memory_space<vmem>>)
    %add3A_192 = arith.constant 256 : i32
    %add3A_193 = arith.addi %mul3A_32, %add3A_192 : i32
    %dma_start3A_194 = arith.constant 0 : i32
    %dma_start3A_195 = arith.constant 0 : i32
    %dma_start3A_196 = tpu.memref_slice %arg6[%select_n3A, %dma_start3A_194, %add3A_193, %dma_start3A_195] : memref<4x1x4096x128xf32, #tpu.memory_space<hbm>> -> memref<1x1x128x128xf32, #tpu.memory_space<hbm>>
    %dma_start3A_197 = tpu.memref_squeeze %dma_start3A_196 : memref<1x1x128x128xf32, #tpu.memory_space<hbm>> -> memref<128x128xf32, #tpu.memory_space<hbm>>
    %dma_start3A_198 = arith.constant 0 : i32
    %dma_start3A_199 = tpu.memref_slice %arg6[%select_n3A, %dma_start3A_194, %add3A_193, %dma_start3A_198] : memref<4x1x4096x128xf32, #tpu.memory_space<hbm>> -> memref<1x1x128x128xf32, #tpu.memory_space<hbm>>
    %dma_start3A_200 = tpu.memref_squeeze %dma_start3A_199 : memref<1x1x128x128xf32, #tpu.memory_space<hbm>> -> memref<128x128xf32, #tpu.memory_space<hbm>>
    tpu.enqueue_dma source(%arg13 : memref<128x128xf32, #tpu.memory_space<vmem>>) target(%dma_start3A_200 : memref<128x128xf32, #tpu.memory_space<hbm>>) target_semaphore(%arg25 : memref<!tpu.dma_semaphore, #tpu.memory_space<semaphore_mem>>)
    %add3A_201 = arith.constant 384 : i32
    %add3A_202 = arith.addi %mul3A_32, %add3A_201 : i32
    %dma_wait3A_203 = arith.constant 384 : i32
    %dma_wait3A_204 = tpu.memref_slice %arg7[%dma_wait3A_203] : memref<512xi32, #tpu.memory_space<vmem>> -> memref<128xi32, #tpu.memory_space<vmem>>
    %dma_wait3A_205 = arith.constant 0 : i32
    %dma_wait3A_206 = arith.constant 0 : i32
    %dma_wait3A_207 = tpu.memref_slice %arg2[%dma_wait3A_205, %dma_wait3A_206] : memref<8192x128xf32, #tpu.memory_space<hbm>> -> memref<8192x128xf32, #tpu.memory_space<hbm>>
    tpu.wait_indirect_dma semaphore(%arg14 : memref<!tpu.dma_semaphore, #tpu.memory_space<semaphore_mem>>) src(%dma_wait3A_207 : memref<8192x128xf32, #tpu.memory_space<hbm>>) dst(%arg8 : memref<128x128xf32, #tpu.memory_space<vmem>>)
    %add3A_208 = arith.constant 384 : i32
    %add3A_209 = arith.addi %mul3A_32, %add3A_208 : i32
    %dma_start3A_210 = arith.constant 0 : i32
    %dma_start3A_211 = arith.constant 0 : i32
    %dma_start3A_212 = tpu.memref_slice %arg5[%select_n3A, %dma_start3A_210, %add3A_209, %dma_start3A_211] : memref<4x1x4096x128xf32, #tpu.memory_space<hbm>> -> memref<1x1x128x128xf32, #tpu.memory_space<hbm>>
    %dma_start3A_213 = tpu.memref_squeeze %dma_start3A_212 : memref<1x1x128x128xf32, #tpu.memory_space<hbm>> -> memref<128x128xf32, #tpu.memory_space<hbm>>
    %dma_start3A_214 = arith.constant 0 : i32
    %dma_start3A_215 = tpu.memref_slice %arg5[%select_n3A, %dma_start3A_210, %add3A_209, %dma_start3A_214] : memref<4x1x4096x128xf32, #tpu.memory_space<hbm>> -> memref<1x1x128x128xf32, #tpu.memory_space<hbm>>
    %dma_start3A_216 = tpu.memref_squeeze %dma_start3A_215 : memref<1x1x128x128xf32, #tpu.memory_space<hbm>> -> memref<128x128xf32, #tpu.memory_space<hbm>>
    tpu.enqueue_dma source(%arg8 : memref<128x128xf32, #tpu.memory_space<vmem>>) target(%dma_start3A_216 : memref<128x128xf32, #tpu.memory_space<hbm>>) target_semaphore(%arg20 : memref<!tpu.dma_semaphore, #tpu.memory_space<semaphore_mem>>)
    %add3A_217 = arith.constant 384 : i32
    %add3A_218 = arith.addi %mul3A_32, %add3A_217 : i32
    %dma_wait3A_219 = arith.constant 384 : i32
    %dma_wait3A_220 = tpu.memref_slice %arg7[%dma_wait3A_219] : memref<512xi32, #tpu.memory_space<vmem>> -> memref<128xi32, #tpu.memory_space<vmem>>
    %dma_wait3A_221 = arith.constant 0 : i32
    %dma_wait3A_222 = arith.constant 0 : i32
    %dma_wait3A_223 = tpu.memref_slice %arg3[%dma_wait3A_221, %dma_wait3A_222] : memref<8192x128xf32, #tpu.memory_space<hbm>> -> memref<8192x128xf32, #tpu.memory_space<hbm>>
    tpu.wait_indirect_dma semaphore(%arg15 : memref<!tpu.dma_semaphore, #tpu.memory_space<semaphore_mem>>) src(%dma_wait3A_223 : memref<8192x128xf32, #tpu.memory_space<hbm>>) dst(%arg9 : memref<128x128xf32, #tpu.memory_space<vmem>>)
    %add3A_224 = arith.constant 384 : i32
    %add3A_225 = arith.addi %mul3A_32, %add3A_224 : i32
    %dma_start3A_226 = arith.constant 0 : i32
    %dma_start3A_227 = arith.constant 0 : i32
    %dma_start3A_228 = tpu.memref_slice %arg6[%select_n3A, %dma_start3A_226, %add3A_225, %dma_start3A_227] : memref<4x1x4096x128xf32, #tpu.memory_space<hbm>> -> memref<1x1x128x128xf32, #tpu.memory_space<hbm>>
    %dma_start3A_229 = tpu.memref_squeeze %dma_start3A_228 : memref<1x1x128x128xf32, #tpu.memory_space<hbm>> -> memref<128x128xf32, #tpu.memory_space<hbm>>
    %dma_start3A_230 = arith.constant 0 : i32
    %dma_start3A_231 = tpu.memref_slice %arg6[%select_n3A, %dma_start3A_226, %add3A_225, %dma_start3A_230] : memref<4x1x4096x128xf32, #tpu.memory_space<hbm>> -> memref<1x1x128x128xf32, #tpu.memory_space<hbm>>
    %dma_start3A_232 = tpu.memref_squeeze %dma_start3A_231 : memref<1x1x128x128xf32, #tpu.memory_space<hbm>> -> memref<128x128xf32, #tpu.memory_space<hbm>>
    tpu.enqueue_dma source(%arg9 : memref<128x128xf32, #tpu.memory_space<vmem>>) target(%dma_start3A_232 : memref<128x128xf32, #tpu.memory_space<hbm>>) target_semaphore(%arg21 : memref<!tpu.dma_semaphore, #tpu.memory_space<semaphore_mem>>)
    %add3A_233 = arith.constant 128 : i32
    %add3A_234 = arith.addi %mul3A_32, %add3A_233 : i32
    %dma_wait3A_235 = arith.constant 0 : i32
    %dma_wait3A_236 = arith.constant 0 : i32
    %dma_wait3A_237 = tpu.memref_slice %arg5[%select_n3A, %dma_wait3A_235, %add3A_234, %dma_wait3A_236] : memref<4x1x4096x128xf32, #tpu.memory_space<hbm>> -> memref<1x1x128x128xf32, #tpu.memory_space<hbm>>
    %dma_wait3A_238 = tpu.memref_squeeze %dma_wait3A_237 : memref<1x1x128x128xf32, #tpu.memory_space<hbm>> -> memref<128x128xf32, #tpu.memory_space<hbm>>
    %dma_wait3A_239 = arith.constant 0 : i32
    %dma_wait3A_240 = tpu.memref_slice %arg5[%select_n3A, %dma_wait3A_235, %add3A_234, %dma_wait3A_239] : memref<4x1x4096x128xf32, #tpu.memory_space<hbm>> -> memref<1x1x128x128xf32, #tpu.memory_space<hbm>>
    %dma_wait3A_241 = tpu.memref_squeeze %dma_wait3A_240 : memref<1x1x128x128xf32, #tpu.memory_space<hbm>> -> memref<128x128xf32, #tpu.memory_space<hbm>>
    tpu.wait_dma2 semaphore(%arg22 : memref<!tpu.dma_semaphore, #tpu.memory_space<semaphore_mem>>) src(%arg10 : memref<128x128xf32, #tpu.memory_space<vmem>>) dst(%dma_wait3A_241 : memref<128x128xf32, #tpu.memory_space<hbm>>)
    %add3A_242 = arith.constant 128 : i32
    %add3A_243 = arith.addi %mul3A_32, %add3A_242 : i32
    %dma_wait3A_244 = arith.constant 0 : i32
    %dma_wait3A_245 = arith.constant 0 : i32
    %dma_wait3A_246 = tpu.memref_slice %arg6[%select_n3A, %dma_wait3A_244, %add3A_243, %dma_wait3A_245] : memref<4x1x4096x128xf32, #tpu.memory_space<hbm>> -> memref<1x1x128x128xf32, #tpu.memory_space<hbm>>
    %dma_wait3A_247 = tpu.memref_squeeze %dma_wait3A_246 : memref<1x1x128x128xf32, #tpu.memory_space<hbm>> -> memref<128x128xf32, #tpu.memory_space<hbm>>
    %dma_wait3A_248 = arith.constant 0 : i32
    %dma_wait3A_249 = tpu.memref_slice %arg6[%select_n3A, %dma_wait3A_244, %add3A_243, %dma_wait3A_248] : memref<4x1x4096x128xf32, #tpu.memory_space<hbm>> -> memref<1x1x128x128xf32, #tpu.memory_space<hbm>>
    %dma_wait3A_250 = tpu.memref_squeeze %dma_wait3A_249 : memref<1x1x128x128xf32, #tpu.memory_space<hbm>> -> memref<128x128xf32, #tpu.memory_space<hbm>>
    tpu.wait_dma2 semaphore(%arg23 : memref<!tpu.dma_semaphore, #tpu.memory_space<semaphore_mem>>) src(%arg11 : memref<128x128xf32, #tpu.memory_space<vmem>>) dst(%dma_wait3A_250 : memref<128x128xf32, #tpu.memory_space<hbm>>)
    %add3A_251 = arith.constant 256 : i32
    %add3A_252 = arith.addi %mul3A_32, %add3A_251 : i32
    %dma_wait3A_253 = arith.constant 0 : i32
    %dma_wait3A_254 = arith.constant 0 : i32
    %dma_wait3A_255 = tpu.memref_slice %arg5[%select_n3A, %dma_wait3A_253, %add3A_252, %dma_wait3A_254] : memref<4x1x4096x128xf32, #tpu.memory_space<hbm>> -> memref<1x1x128x128xf32, #tpu.memory_space<hbm>>
    %dma_wait3A_256 = tpu.memref_squeeze %dma_wait3A_255 : memref<1x1x128x128xf32, #tpu.memory_space<hbm>> -> memref<128x128xf32, #tpu.memory_space<hbm>>
    %dma_wait3A_257 = arith.constant 0 : i32
    %dma_wait3A_258 = tpu.memref_slice %arg5[%select_n3A, %dma_wait3A_253, %add3A_252, %dma_wait3A_257] : memref<4x1x4096x128xf32, #tpu.memory_space<hbm>> -> memref<1x1x128x128xf32, #tpu.memory_space<hbm>>
    %dma_wait3A_259 = tpu.memref_squeeze %dma_wait3A_258 : memref<1x1x128x128xf32, #tpu.memory_space<hbm>> -> memref<128x128xf32, #tpu.memory_space<hbm>>
    tpu.wait_dma2 semaphore(%arg24 : memref<!tpu.dma_semaphore, #tpu.memory_space<semaphore_mem>>) src(%arg12 : memref<128x128xf32, #tpu.memory_space<vmem>>) dst(%dma_wait3A_259 : memref<128x128xf32, #tpu.memory_space<hbm>>)
    %add3A_260 = arith.constant 256 : i32
    %add3A_261 = arith.addi %mul3A_32, %add3A_260 : i32
    %dma_wait3A_262 = arith.constant 0 : i32
    %dma_wait3A_263 = arith.constant 0 : i32
    %dma_wait3A_264 = tpu.memref_slice %arg6[%select_n3A, %dma_wait3A_262, %add3A_261, %dma_wait3A_263] : memref<4x1x4096x128xf32, #tpu.memory_space<hbm>> -> memref<1x1x128x128xf32, #tpu.memory_space<hbm>>
    %dma_wait3A_265 = tpu.memref_squeeze %dma_wait3A_264 : memref<1x1x128x128xf32, #tpu.memory_space<hbm>> -> memref<128x128xf32, #tpu.memory_space<hbm>>
    %dma_wait3A_266 = arith.constant 0 : i32
    %dma_wait3A_267 = tpu.memref_slice %arg6[%select_n3A, %dma_wait3A_262, %add3A_261, %dma_wait3A_266] : memref<4x1x4096x128xf32, #tpu.memory_space<hbm>> -> memref<1x1x128x128xf32, #tpu.memory_space<hbm>>
    %dma_wait3A_268 = tpu.memref_squeeze %dma_wait3A_267 : memref<1x1x128x128xf32, #tpu.memory_space<hbm>> -> memref<128x128xf32, #tpu.memory_space<hbm>>
    tpu.wait_dma2 semaphore(%arg25 : memref<!tpu.dma_semaphore, #tpu.memory_space<semaphore_mem>>) src(%arg13 : memref<128x128xf32, #tpu.memory_space<vmem>>) dst(%dma_wait3A_268 : memref<128x128xf32, #tpu.memory_space<hbm>>)
    %add3A_269 = arith.constant 384 : i32
    %add3A_270 = arith.addi %mul3A_32, %add3A_269 : i32
    %dma_wait3A_271 = arith.constant 0 : i32
    %dma_wait3A_272 = arith.constant 0 : i32
    %dma_wait3A_273 = tpu.memref_slice %arg5[%select_n3A, %dma_wait3A_271, %add3A_270, %dma_wait3A_272] : memref<4x1x4096x128xf32, #tpu.memory_space<hbm>> -> memref<1x1x128x128xf32, #tpu.memory_space<hbm>>
    %dma_wait3A_274 = tpu.memref_squeeze %dma_wait3A_273 : memref<1x1x128x128xf32, #tpu.memory_space<hbm>> -> memref<128x128xf32, #tpu.memory_space<hbm>>
    %dma_wait3A_275 = arith.constant 0 : i32
    %dma_wait3A_276 = tpu.memref_slice %arg5[%select_n3A, %dma_wait3A_271, %add3A_270, %dma_wait3A_275] : memref<4x1x4096x128xf32, #tpu.memory_space<hbm>> -> memref<1x1x128x128xf32, #tpu.memory_space<hbm>>
    %dma_wait3A_277 = tpu.memref_squeeze %dma_wait3A_276 : memref<1x1x128x128xf32, #tpu.memory_space<hbm>> -> memref<128x128xf32, #tpu.memory_space<hbm>>
    tpu.wait_dma2 semaphore(%arg20 : memref<!tpu.dma_semaphore, #tpu.memory_space<semaphore_mem>>) src(%arg8 : memref<128x128xf32, #tpu.memory_space<vmem>>) dst(%dma_wait3A_277 : memref<128x128xf32, #tpu.memory_space<hbm>>)
    %add3A_278 = arith.constant 384 : i32
    %add3A_279 = arith.addi %mul3A_32, %add3A_278 : i32
    %dma_wait3A_280 = arith.constant 0 : i32
    %dma_wait3A_281 = arith.constant 0 : i32
    %dma_wait3A_282 = tpu.memref_slice %arg6[%select_n3A, %dma_wait3A_280, %add3A_279, %dma_wait3A_281] : memref<4x1x4096x128xf32, #tpu.memory_space<hbm>> -> memref<1x1x128x128xf32, #tpu.memory_space<hbm>>
    %dma_wait3A_283 = tpu.memref_squeeze %dma_wait3A_282 : memref<1x1x128x128xf32, #tpu.memory_space<hbm>> -> memref<128x128xf32, #tpu.memory_space<hbm>>
    %dma_wait3A_284 = arith.constant 0 : i32
    %dma_wait3A_285 = tpu.memref_slice %arg6[%select_n3A, %dma_wait3A_280, %add3A_279, %dma_wait3A_284] : memref<4x1x4096x128xf32, #tpu.memory_space<hbm>> -> memref<1x1x128x128xf32, #tpu.memory_space<hbm>>
    %dma_wait3A_286 = tpu.memref_squeeze %dma_wait3A_285 : memref<1x1x128x128xf32, #tpu.memory_space<hbm>> -> memref<128x128xf32, #tpu.memory_space<hbm>>
    tpu.wait_dma2 semaphore(%arg21 : memref<!tpu.dma_semaphore, #tpu.memory_space<semaphore_mem>>) src(%arg9 : memref<128x128xf32, #tpu.memory_space<vmem>>) dst(%dma_wait3A_286 : memref<128x128xf32, #tpu.memory_space<hbm>>)
    return
  }
}

</mosaic_0001>

<sc_bundles>
// kernel: kernel.3.cloned.1.call-start
scs
__scs_entry_jumppad:
0x0: {  	(pc) =	sbr.rel $0x88, $3  }
0x1: {  	(tag) =	ssettag $0x0;
	lr =	simm.s32 $0x1  }
0x2: {  	[smem:$0x3F9E] =	sst lr;
	_ =	strace $0xD0000000  }
0x3: {  	_ = 	snop  }
0x4: {  	_ = 	snop  }
0x5: {  	_ = 	snop  }
0x6: {  	_ = 	snop  }
0x7: {  	_ = 	snop  }
__scs_overlays_trampoline_lowered:
0x8: {  	[smem:$0x3FAD] =	sst s0  }
0x9: {  	[smem:$0x3FAE] =	sst s1  }
0xa: {  	[smem:$0x3FAF] =	sst s2  }
0xb: {  	[smem:$0x3FB0] =	sst s3  }
0xc: {  	[smem:$0x3FB1] =	sst s4  }
0xd: {  	[smem:$0x3FB2] =	sst s5  }
0xe: {  	[smem:$0x3FB3] =	sst s6  }
0xf: {  	[smem:$0x3FB4] =	sst s7  }
0x10: {  	[smem:$0x3FB5] =	sst s8  }
0x11: {  	[smem:$0x3FB6] =	sst s9;
	s0 =	simm.s32 @!p0 $0x0  }
0x12: {  	s1 =	sld [smem:$0x3F9C];
	s0 =	simm.s32 @p0 $0x1  }
0x13: {  	[smem:$0x3FB7] =	sst s0;
	s0 =	simm.s32 @!p1 $0x0  }
0x14: {  	s2 =	sld [smem:$0x3F9B];
	s0 =	simm.s32 @p1 $0x1  }
0x15: {  	[smem:$0x3FB8] =	sst s0;
	s0 =	simm.s32 @!p2 $0x0  }
0x16: {  	s3 =	sld [smem:$0x3FDB];
	s0 =	simm.s32 @p2 $0x1  }
0x17: {  	s4 =	simm.s32 $0x1BF5;
	[smem:$0x3FBA] =	sst s0  }
0x18: {  	s0 =	sld [smem:$0x3F9D];
	_ =	swait.ge [sflag:s4], $0x0  }
0x19: {  	s7 =	sld [smem:$0x3F9E]  }
0x1a: {  	s8 =	sadd.s32 $0xFFFFE003, lr  }
0x1b: {  	s9 =	sadd.s32 $0xFFFFFEF7, lr;
	s5 =	simm.s32 $0xFFFFFFFF;
	p2 =	slt.u32 s8, $0xFFFFF086  }
0x1c: {  	p1 =	slt.u32 s9, $0xF7A;
	s5 =	simm.s32 @!p2 $0x0  }
0x1d: {  	s5 =	simm.s32 @p1 $0x1;
	p0 =	seq.s32 s7, s2  }
0x1e: {  	s7 =	smul.u32 @!p0 $0xF7A, s2;
	p2 =	seq.s32 @!p0 s5, $0x0  }
0x1f: {  	s9 =	smul.u32 $0xF7A, s1;
	s8 =	simm.s32 @!p0 $0x1BF5;
	p2 =	por !p2, p0  }
0x20: {  	[sflag:s8] =	ssyncset.s32 @!p0 $0xFFFFF086;
	s6 =	sadd.s32 @!p0 s3, s7;
	s7 =	simm.s32 @!p0 $0x108  }
0x21: {  	s3 =	sadd.s32 s3, s9;
	s6 =	sadd.s32 @!p0 $0x88, s6;
	s7 =	simm.s32 @p2 $0x1082  }
0x22: {  	[simem:s7], [sflag:s8] =	dma.local @!p0 [hbm:s6], $0xF7A  }
0x23: {  	s9 =	sor.u32 $0xD0000000, s2;
	s6 =	simm.s32 $0x108;
	_ =	swait.ge @!p0 [sflag:s8], $0x0  }
0x24: {  	s3 =	sadd.s32 $0x88, s3;
	s6 =	simm.s32 @!p1 $0x1082;
	[sflag:s4] =	ssyncset.s32 $0xFFFFF086  }
0x25: {  	[simem:s6], [sflag:s4] =	dma.local [hbm:s3], $0xF7A  }
0x26: {  	[smem:$0x3F9E] =	sst s1;
	(tag) =	ssettag s2;
	_ =	strace s9  }
0x27: {  	s1 =	sld [smem:$0x3FAE]  }
0x28: {  	s2 =	sld [smem:$0x3FAF]  }
0x29: {  	s4 =	sld [smem:$0x3FB1]  }
0x2a: {  	p0 =	seq.s32 s5, $0x0;
	s5 =	sld [smem:$0x3FB2]  }
0x2b: {  	s6 =	sld [smem:$0x3FB3]  }
0x2c: {  	s7 =	sld [smem:$0x3FB4]  }
0x2d: {  	s3 =	simm.s32 $0x108;
	s8 =	sld [smem:$0x3FB5]  }
0x2e: {  	s3 =	simm.s32 @!p0 $0x1082;
	s9 =	sld [smem:$0x3FB6]  }
0x2f: {  	lr =	sadd.s32 s0, s3;
	s0 =	sld [smem:$0x3FAD]  }
0x30: {  	s3 =	sld [smem:$0x3FB0]  }
0x31: {  	[smem:$0x3FB9] =	sst s10  }
0x32: {  	s10 =	sld [smem:$0x3FB7];
	_ =	sdelay $0x3  }
0x33: {  	p0 =	seq.s32 s10, $0x1;
	s10 =	sld [smem:$0x3FB9];
	_ =	sdelay $0x3  }
0x34: {  	[smem:$0x3FB9] =	sst s10  }
0x35: {  	s10 =	sld [smem:$0x3FB8];
	_ =	sdelay $0x3  }
0x36: {  	p1 =	seq.s32 s10, $0x1;
	s10 =	sld [smem:$0x3FB9];
	_ =	sdelay $0x3  }
0x37: {  	[smem:$0x3FB9] =	sst s10  }
0x38: {  	s10 =	sld [smem:$0x3FBA]  }
0x39: {  	_ = 	snop;
	(pc) =	sbr.ind lr, $3  }
0x3a: {  	_ = 	snop  }
0x3b: {  	_ = 	snop  }
0x3c: {  	p2 =	seq.s32 s10, $0x1;
	s10 =	sld [smem:$0x3FB9]  }
0x3d: {  	_ =	shalt  }
0x3e: {  	_ =	shalt  }
0x3f: {  	_ =	shalt  }
0x40: {  	_ =	shalt  }
0x41: {  	_ =	shalt  }
0x42: {  	_ =	shalt  }
0x43: {  	_ =	shalt  }
0x44: {  	_ =	shalt  }
0x45: {  	_ =	shalt  }
0x46: {  	_ =	shalt  }
0x47: {  	_ =	shalt  }
0x48: {  	_ =	shalt  }
0x49: {  	_ =	shalt  }
0x4a: {  	_ =	shalt  }
0x4b: {  	_ =	shalt  }
0x4c: {  	_ =	shalt  }
0x4d: {  	_ =	shalt  }
0x4e: {  	_ =	shalt  }
0x4f: {  	_ =	shalt  }
0x50: {  	_ =	shalt  }
0x51: {  	_ =	shalt  }
0x52: {  	_ =	shalt  }
0x53: {  	_ =	shalt  }
0x54: {  	_ =	shalt  }
0x55: {  	_ =	shalt  }
0x56: {  	_ =	shalt  }
0x57: {  	_ =	shalt  }
0x58: {  	_ =	shalt  }
0x59: {  	_ =	shalt  }
0x5a: {  	_ =	shalt  }
0x5b: {  	_ =	shalt  }
0x5c: {  	_ =	shalt  }
0x5d: {  	_ =	shalt  }
0x5e: {  	_ =	shalt  }
0x5f: {  	_ =	shalt  }
0x60: {  	_ =	shalt  }
0x61: {  	_ =	shalt  }
0x62: {  	_ =	shalt  }
0x63: {  	_ =	shalt  }
0x64: {  	_ =	shalt  }
0x65: {  	_ =	shalt  }
0x66: {  	_ =	shalt  }
0x67: {  	_ =	shalt  }
0x68: {  	_ =	shalt  }
0x69: {  	_ =	shalt  }
0x6a: {  	_ =	shalt  }
0x6b: {  	_ =	shalt  }
0x6c: {  	_ =	shalt  }
0x6d: {  	_ =	shalt  }
0x6e: {  	_ =	shalt  }
0x6f: {  	_ =	shalt  }
0x70: {  	_ =	shalt  }
0x71: {  	_ =	shalt  }
0x72: {  	_ =	shalt  }
0x73: {  	_ =	shalt  }
0x74: {  	_ =	shalt  }
0x75: {  	_ =	shalt  }
0x76: {  	_ =	shalt  }
0x77: {  	_ =	shalt  }
0x78: {  	_ =	shalt  }
0x79: {  	_ =	shalt  }
0x7a: {  	_ =	shalt  }
0x7b: {  	_ =	shalt  }
0x7c: {  	_ =	shalt  }
0x7d: {  	_ =	shalt  }
0x7e: {  	_ =	shalt  }
0x7f: {  	_ =	shalt  }
0x80: {  	_ =	shalt  }
0x81: {  	_ =	shalt  }
0x82: {  	_ =	shalt  }
0x83: {  	_ =	shalt  }
0x84: {  	_ =	shalt  }
0x85: {  	_ =	shalt  }
0x86: {  	_ =	shalt  }
0x87: {  	_ =	shalt  }
.Lfunc_end0:
.L_simem_size_0:
called_computation_lowered:
.L_overlay_start_0:
0x88: {  	s2 =	sld [smem:$0x3FD9]  }
0x89: {  	s3 =	sld [smem:$0x3FFE];
	_ =	sdelay $0x1  }
0x8a: {  	s1 =	srdreg.scid  }
0x8b: {  	s0 =	sand.u32 $0x1, s1  }
0x8c: {  	s15 =	sshll.u32 s0, $0xA;
	s2 =	sadd.s32 s3, s2  }
0x8d: {  	s2 =	sadd.s32 s2, s15  }
0x8e: {  	[smem:$0x3FC5] =	sst s2  }
0x8f: {  	_ = 	snop  }
0x90: {  	s2 =	sld [smem:$0x3FD0]  }
0x91: {  	s16 =	sld [smem:$0x3FC9]  }
0x92: {  	s4 =	sld [smem:$0x3FC8]  }
0x93: {  	s6 =	simm.s32 $0xA;
	s7 =	simm.s32 $0x10;
	s5 =	sld [smem:$0x3FC7]  }
0x94: {  	[smem:s7], [sflag:s6] =	dma.local [hbm:s2], $0x1  }
0x95: {  	_ =	swait.eq [sflag:s6], $0x1  }
0x96: {  	[sflag:s6] =	ssyncset.done $0x0  }
0x97: {  	s17 =	sld [smem:$0x10];
	[sflag:s6] =	ssyncadd.s32 $0xFFFFFFFF  }
0x98: {  	s18 =	sld [smem:$0x11];
	(tm) =	ssettm $0x1  }
0x99: {  	s19 =	sld [smem:$0x3FFB];
	_ =	sdelay $0x3  }
0x9a: {  	_ =	strace s19  }
0x9b: {  	s7 =	sld [smem:$0x3FFC];
	_ =	sdelay $0x3  }
0x9c: {  	_ =	strace s7  }
0x9d: {  	s7 =	sld [smem:$0x3FFD];
	_ =	sdelay $0x3  }
0x9e: {  	_ =	strace s7  }
0x9f: {  	_ =	strace $0x8FFFFFFF  }
0xa0: {  	s20 =	sld [smem:$0x3FDB];
	_ =	sdelay $0x1  }
0xa1: {  	s8 =	simm.s32 $_scs_section_size  }
0xa2: {  	s9 =	simm.s32 $_size__tile_overlayer_lowered;
	s10 =	simm.s32 $_tile_overlayer_lowered  }
0xa3: {  	s23 =	simm.s32 $0x1BFF;
	s22 =	sshll.u32 s10, $0x1;
	s7 =	sadd.s32 s8, s20  }
0xa4: {  	s11 =	simm.s32 $0x0;
	s21 =	sshll.u32 s9, $0x1;
	s9 =	sadd.s32 s22, s7  }
0xa5: {  	[timem:s11], [sflag:s23] =	dma.local [hbm:s9], s21  }
0xa6: {  	_ =	swait.ge [sflag:s23], s21  }
0xa7: {  	s8 =	ssub.s32 $0x0, s21;
	[sflag:s23] =	ssyncset.done $0x0  }
0xa8: {  	[sflag:s23] =	ssyncadd.s32 s8;
	_ =	sdelay $0x1  }
0xa9: {  	s24 =	simm.s32 $0x1B8B  }
0xaa: {  	_ =	swait.ge [sflag:s24], $0x1  }
0xab: {  	[sflag:s24] =	ssyncset.done $0x0  }
0xac: {  	s25 =	simm.s32 $0x1B8E;
	[sflag:s24] =	ssyncadd.s32 $0xFFFFFFFF  }
0xad: {  	s26 =	simm.s32 $execute0_lowered;
	[smem:$0x3FD2] =	sst s25  }
0xae: {  	s8 =	sshll.u32 s26, $0x1;
	_ =	strace $0x80000046;
	[dreg:$0x1] =	wrdreg $0xFFFFFFFF  }
0xaf: {  	s28 =	simm.s32 $_size_execute0_lowered;
	s7 =	sadd.s32 s7, s8;
	[dreg:$0x0] =	wrdreg $0x0  }
0xb0: {  	s8 =	sshll.u32 s28, $0x1;
	[dreg:$0x2] =	wrdreg s7  }
0xb1: {  	[dreg:$0x3] =	wrdreg s8  }
0xb2: {  	[dreg:$0x4] =	wrdreg $0xC0  }
0xb3: {  	_ =	task [dreg:s11], $0x5FFFF  }
0xb4: {  	[dreg:$0x1] =	wrdreg $0xFFFFFFFF  }
0xb5: {  	[dreg:$0x0] =	wrdreg $0x60  }
0xb6: {  	[dreg:$0x2] =	wrdreg s4  }
0xb7: {  	[dreg:$0x3] =	wrdreg s5  }
0xb8: {  	[dreg:$0x4] =	wrdreg s16  }
0xb9: {  	[dreg:$0x5] =	wrdreg s17  }
0xba: {  	[dreg:$0x6] =	wrdreg s18  }
0xbb: {  	[dreg:$0x7] =	wrdreg $0x9  }
0xbc: {  	_ =	task.clear_ibuf [dreg:s11], $0x8FFFF;
	_ =	strace $0x90000046  }
0xbd: {  	s29 =	simm.s32 $0x9;
	_ =	strace $0x80000048  }
0xbe: {  	_ =	swait.ge [sflag:s29], $0x1  }
0xbf: {  	[sflag:s29] =	ssyncadd.s32 $0xFFFFFFFF  }
0xc0: {  	_ =	strace $0x90000048  }
0xc1: {  	_ =	sfence  }
0xc2: {  	s30 =	sld [smem:$0x0];
	_ =	sdelay $0x2  }
0xc3: {  	s31 =	sshll.u32 s1, $0xD;
	s1 =	sshrl.u32 s1, $0x2  }
0xc4: {  	s3 =	sand.u32 $0x4000, s31;
	s1 =	sadd.s32 s1, s30  }
0xc5: {  	s0 =	sor.u32 s3, s0;
	s1 =	sshll.u32 s1, $0x11  }
0xc6: {  	s0 =	sor.u32 s1, s0  }
0xc7: {  	s0 =	sadd.s32 $0x8F2B, s0  }
0xc8: {  	[sflag:s0] =	ssyncadd.remote.s32 $0x1  }
0xc9: {  	_ =	sfence.sel $0xFFFF  }
0xca: {  	[dreg:$0x0] =	wrdreg $0xFFFFFFFF;
	(pc) =	sbr.abs _section_cstart, $3  }
0xcb: {  	[dreg:$0x1] =	wrdreg $0xFFFFFFFF  }
0xcc: {  	_ =	task.clear_ibuf [dreg:s11], $0x2FFFF;
	_ =	strace $0x9FFFFFFF  }
0xcd: {  	(tm) =	ssettm $0x7FFFFFFF  }
tec
execute0_lowered:
.L_overlay_start_1:
0x0: {  	(tag) =	ssettag $0x1  }
0x1: {  	s4 =	rddreg [dreg:$0x0]  }
0x2: {  	s3 =	rddreg [dreg:$0x1]  }
0x3: {  	s0 =	rddreg [dreg:$0x2]  }
0x4: {  	s1 =	rddreg [dreg:$0x3]  }
0x5: {  	s5 =	rddreg [dreg:$0x4];
	s8 =	stileid.u32  }
0x6: {  	s6 =	srdreg.scid;
	s2 =	simm.s32 $0x0;
	s11 =	simm.s32 $0x200  }
0x7: {  	s31 =	simm.s32 $0xD;
	s26 =	simm.s32 $0x8200;
	s14 =	simm.s32 $0x1  }
0x8: {  	s24 =	simm.s32 $0xC200;
	s12 =	simm.s32 $0x2;
	s28 =	simm.s32 $0x100  }
0x9: {  	s30 =	simm.s32 $0x3;
	s29 =	simm.s32 $0x4;
	s25 =	simm.s32 $0x5  }
0xa: {  	p0 =	por $0x0, $0x0;
	s7 =	sshll.u32 s8, $0x1;
	s6 =	sand.u32 $0x1, s6  }
0xb: {  	[smem:$0x7FF] =	sst s2;
	s8 =	sshrl.u32 s8, $0x2;
	s7 =	sand.u32 $0x6, s7  }
0xc: {  	_ =	strace $0x80000047;
	s10 =	sshll.u32 s8, $0x4;
	s8 =	sshll.u32 s8, $0x10  }
0xd: {  	s7 =	sor.u32 s6, s7;
	s0 =	sadd.s32 s0, s10;
	s6 =	ssub.s32 $0x2, s6  }
0xe: {  	s9 =	sshll.u32 s7, $0xD;
	s7 =	sshll.u32 s7, $0x8;
	s16 =	sshrl.u32 s6, $0x1  }
0xf: {  	s0 =	sadd.s32 s7, s0;
	s15 =	sor.u32 s8, s9;
	s6 =	ssub.s32 s6, s16  }
0x10: {  	s8 =	simm.s32 $0x8;
	s16 =	simm.s32 $0xC;
	[dreg:$0x6] =	wrdreg s0  }
0x11: {  	s17 =	sadd.s32 s1, s15;
	s18 =	sadd.s32 s5, s15;
	s9 =	sor.u32 $0x800, s15  }
0x12: {  	s21 =	sor.u32 $0x1000, s15;
	s22 =	sor.u32 $0x1800, s15;
	s23 =	smax.u32 s6, $0x1  }
0x13: {  	s15 =	simm.s32 $0x80;
	s6 =	simm.s32 $0x7;
	[dreg:$0x7] =	wrdreg s17  }
0x14: {  	[dreg:$0x8] =	wrdreg s18;
	s19 =	sadd.s32 s1, s9;
	s20 =	sadd.s32 s5, s9  }
0x15: {  	s13 =	sadd.s32 s1, s21;
	s10 =	sadd.s32 s5, s21;
	p1 =	sne.s32 s23, $0x1  }
.Ltmp0:
0x16: {  	s7 =	sadd.s32 s1, s22;
	s5 =	sadd.s32 s5, s22;
	(pc) =	sbr.rel @!p1 .LBB2_3-.Ltmp0, $4  }
0x17: {  	s9 =	simm.s32 $0x4200;
	s21 =	simm.s32 $0x10200;
	s22 =	simm.s32 $0x180  }
0x18: {  	s0 =	sadd.s32 $0xFFFFFFFF, s23;
	s23 =	simm.s32 $0x6;
	s1 =	rddreg [dreg:$0x6]  }
0x19: {  	s18 =	simm.s32 $0xA;
	s17 =	simm.s32 $0xB;
	[dreg:$0x9] =	wrdreg s19  }
0x1a: {  	[dreg:$0xa] =	wrdreg s20;
	s20 =	simm.s32 $0x14200;
	s19 =	simm.s32 $0x9  }
0x1b: {  	[tilespmem:s2], [sflag:$0xD] =	stream.strided.gather [hbm4b:s1+s15], $0x200, s11, s15, $0x38;
	[tilespmem:$0x18200] =	vst v63  }
0x1c: {  	_ =	swait.ge [sflag:s31], $0x200  }
0x1d: {  	[sflag:s31] =	ssyncset.done $0x0  }
0x1e: {  	[sflag:s31] =	ssyncadd.s32 $0xFFFFFE00  }
0x1f: {  	[tilespmem:s11], [sflag:$0x1] =	stream.indirect.gather [hbm4b:s4+s15], $0x80, s2, s15, $0xb8;
	[tilespmem:$0x18200] =	vst v63  }
0x20: {  	_ = 	snop  }
0x21: {  	[tilespmem:s9], [sflag:$0x2] =	stream.indirect.gather [hbm4b:s3+s15], $0x80, s2, s15, $0xb8;
	[tilespmem:$0x18200] =	vst v63  }
0x22: {  	_ = 	snop  }
0x23: {  	[tilespmem:s26], [sflag:$0x3] =	stream.indirect.gather [hbm4b:s4+s15], $0x80, s15, s15, $0xb8;
	[tilespmem:$0x18200] =	vst v63  }
0x24: {  	_ =	swait.ge [sflag:s14], $0x4000  }
0x25: {  	[sflag:s14] =	ssyncset.done $0x0  }
0x26: {  	s1 =	rddreg [dreg:$0x7];
	[sflag:s14] =	ssyncadd.s32 $0xFFFFC000  }
0x27: {  	[hbm4b:s1+s2] =	stream.linear.scatter [tilespmem:s11], [sflag:$0x7], $0x4000, $0x38;
	[tilespmem:$0x18200] =	vst v63  }
0x28: {  	_ = 	snop  }
0x29: {  	[tilespmem:s24], [sflag:$0x4] =	stream.indirect.gather [hbm4b:s3+s15], $0x80, s15, s15, $0xb8;
	[tilespmem:$0x18200] =	vst v63  }
0x2a: {  	_ =	swait.ge [sflag:s12], $0x4000  }
0x2b: {  	[sflag:s12] =	ssyncset.done $0x0  }
0x2c: {  	s1 =	rddreg [dreg:$0x8];
	[sflag:s12] =	ssyncadd.s32 $0xFFFFC000  }
0x2d: {  	[hbm4b:s1+s2] =	stream.linear.scatter [tilespmem:s9], [sflag:$0x8], $0x4000, $0x38;
	[tilespmem:$0x18200] =	vst v63  }
0x2e: {  	_ = 	snop  }
0x2f: {  	[tilespmem:s21], [sflag:$0x5] =	stream.indirect.gather [hbm4b:s4+s15], $0x80, s28, s15, $0xb8;
	[tilespmem:$0x18200] =	vst v63  }
0x30: {  	_ =	swait.ge [sflag:s30], $0x4000  }
0x31: {  	[sflag:s30] =	ssyncset.done $0x0  }
0x32: {  	s1 =	rddreg [dreg:$0x9];
	[sflag:s30] =	ssyncadd.s32 $0xFFFFC000  }
0x33: {  	[hbm4b:s1+s2] =	stream.linear.scatter [tilespmem:s26], [sflag:$0x9], $0x4000, $0x38;
	[tilespmem:$0x18200] =	vst v63  }
0x34: {  	_ = 	snop  }
0x35: {  	[tilespmem:s20], [sflag:$0x6] =	stream.indirect.gather [hbm4b:s3+s15], $0x80, s28, s15, $0xb8;
	[tilespmem:$0x18200] =	vst v63  }
0x36: {  	_ =	swait.ge [sflag:s29], $0x4000  }
0x37: {  	[sflag:s29] =	ssyncset.done $0x0  }
0x38: {  	s1 =	rddreg [dreg:$0xa];
	[sflag:s29] =	ssyncadd.s32 $0xFFFFC000  }
0x39: {  	[hbm4b:s1+s2] =	stream.linear.scatter [tilespmem:s24], [sflag:$0xA], $0x4000, $0x38;
	[tilespmem:$0x18200] =	vst v63  }
0x3a: {  	_ =	swait.ge [sflag:s6], $0x4000  }
0x3b: {  	[sflag:s6] =	ssyncset.done $0x0  }
0x3c: {  	[sflag:s6] =	ssyncadd.s32 $0xFFFFC000  }
0x3d: {  	[tilespmem:s11], [sflag:$0x1] =	stream.indirect.gather [hbm4b:s4+s15], $0x80, s22, s15, $0xb8;
	[tilespmem:$0x18200] =	vst v63  }
0x3e: {  	_ =	swait.ge [sflag:s25], $0x4000  }
0x3f: {  	[sflag:s25] =	ssyncset.done $0x0  }
0x40: {  	[sflag:s25] =	ssyncadd.s32 $0xFFFFC000  }
0x41: {  	[hbm4b:s13+s2] =	stream.linear.scatter [tilespmem:s21], [sflag:$0xB], $0x4000, $0x38;
	[tilespmem:$0x18200] =	vst v63  }
0x42: {  	_ =	swait.ge [sflag:s8], $0x4000  }
0x43: {  	[sflag:s8] =	ssyncset.done $0x0  }
0x44: {  	[sflag:s8] =	ssyncadd.s32 $0xFFFFC000  }
0x45: {  	[tilespmem:s9], [sflag:$0x2] =	stream.indirect.gather [hbm4b:s3+s15], $0x80, s22, s15, $0xb8;
	[tilespmem:$0x18200] =	vst v63  }
0x46: {  	_ =	swait.ge [sflag:s23], $0x4000  }
0x47: {  	[sflag:s23] =	ssyncset.done $0x0  }
0x48: {  	[sflag:s23] =	ssyncadd.s32 $0xFFFFC000  }
0x49: {  	[hbm4b:s10+s2] =	stream.linear.scatter [tilespmem:s20], [sflag:$0xC], $0x4000, $0x38;
	[tilespmem:$0x18200] =	vst v63  }
0x4a: {  	_ =	swait.ge [sflag:s14], $0x4000  }
0x4b: {  	[sflag:s14] =	ssyncset.done $0x0  }
0x4c: {  	[sflag:s14] =	ssyncadd.s32 $0xFFFFC000  }
0x4d: {  	[hbm4b:s7+s2] =	stream.linear.scatter [tilespmem:s11], [sflag:$0x7], $0x4000, $0x38;
	[tilespmem:$0x18200] =	vst v63  }
0x4e: {  	_ =	swait.ge [sflag:s12], $0x4000  }
0x4f: {  	[sflag:s12] =	ssyncset.done $0x0  }
0x50: {  	[sflag:s12] =	ssyncadd.s32 $0xFFFFC000  }
0x51: {  	[hbm4b:s5+s2] =	stream.linear.scatter [tilespmem:s9], [sflag:$0x8], $0x4000, $0x38;
	[tilespmem:$0x18200] =	vst v63  }
0x52: {  	_ =	swait.ge [sflag:s19], $0x4000  }
0x53: {  	[sflag:s19] =	ssyncset.done $0x0  }
0x54: {  	[sflag:s19] =	ssyncadd.s32 $0xFFFFC000  }
0x55: {  	_ =	swait.ge [sflag:s18], $0x4000  }
0x56: {  	[sflag:s18] =	ssyncset.done $0x0  }
0x57: {  	[sflag:s18] =	ssyncadd.s32 $0xFFFFC000  }
0x58: {  	_ =	swait.ge [sflag:s17], $0x4000  }
0x59: {  	[sflag:s17] =	ssyncset.done $0x0  }
0x5a: {  	[sflag:s17] =	ssyncadd.s32 $0xFFFFC000  }
0x5b: {  	_ =	swait.ge [sflag:s16], $0x4000  }
0x5c: {  	[sflag:s16] =	ssyncset.done $0x0  }
0x5d: {  	p1 =	sne.s32 s0, $0x1;
	[sflag:s16] =	ssyncadd.s32 $0xFFFFC000  }
.Ltmp1:
0x5e: {  	_ =	swait.ge [sflag:s6], $0x4000;
	(pc) =	sbr.rel @!p1 .LBB2_3-.Ltmp1, $4  }
0x5f: {  	[sflag:s6] =	ssyncset.done $0x0  }
0x60: {  	[sflag:s6] =	ssyncadd.s32 $0xFFFFC000  }
0x61: {  	s0 =	sadd.s32 $0xFFFFFFFF, s0;
	_ =	swait.ge [sflag:s8], $0x4000  }
0x62: {  	p0 =	por $0x1, $0x1;
	s1 =	rddreg [dreg:$0x6];
	[sflag:s8] =	ssyncset.done $0x0  }
.LBB2_2:
0x63: {  	[sflag:s8] =	ssyncadd.s32 $0xFFFFC000  }
0x64: {  	[tilespmem:s2], [sflag:$0xD] =	stream.strided.gather [hbm4b:s1+s15], $0x200, s11, s15, $0x38;
	[tilespmem:$0x18200] =	vst v63  }
0x65: {  	_ =	swait.ge [sflag:s31], $0x200  }
0x66: {  	[sflag:s31] =	ssyncset.done $0x0  }
0x67: {  	[sflag:s31] =	ssyncadd.s32 $0xFFFFFE00  }
0x68: {  	[tilespmem:s11], [sflag:$0x1] =	stream.indirect.gather [hbm4b:s4+s15], $0x80, s2, s15, $0xb8;
	[tilespmem:$0x18200] =	vst v63  }
0x69: {  	_ = 	snop  }
0x6a: {  	[tilespmem:s9], [sflag:$0x2] =	stream.indirect.gather [hbm4b:s3+s15], $0x80, s2, s15, $0xb8;
	[tilespmem:$0x18200] =	vst v63  }
0x6b: {  	_ = 	snop  }
0x6c: {  	[tilespmem:s26], [sflag:$0x3] =	stream.indirect.gather [hbm4b:s4+s15], $0x80, s15, s15, $0xb8;
	[tilespmem:$0x18200] =	vst v63  }
0x6d: {  	_ =	swait.ge [sflag:s14], $0x4000  }
0x6e: {  	[sflag:s14] =	ssyncset.done $0x0  }
0x6f: {  	s1 =	rddreg [dreg:$0x7];
	[sflag:s14] =	ssyncadd.s32 $0xFFFFC000  }
0x70: {  	[hbm4b:s1+s2] =	stream.linear.scatter [tilespmem:s11], [sflag:$0x7], $0x4000, $0x38;
	[tilespmem:$0x18200] =	vst v63  }
0x71: {  	_ = 	snop  }
0x72: {  	[tilespmem:s24], [sflag:$0x4] =	stream.indirect.gather [hbm4b:s3+s15], $0x80, s15, s15, $0xb8;
	[tilespmem:$0x18200] =	vst v63  }
0x73: {  	_ =	swait.ge [sflag:s12], $0x4000  }
0x74: {  	[sflag:s12] =	ssyncset.done $0x0  }
0x75: {  	s1 =	rddreg [dreg:$0x8];
	[sflag:s12] =	ssyncadd.s32 $0xFFFFC000  }
0x76: {  	[hbm4b:s1+s2] =	stream.linear.scatter [tilespmem:s9], [sflag:$0x8], $0x4000, $0x38;
	[tilespmem:$0x18200] =	vst v63  }
0x77: {  	_ = 	snop  }
0x78: {  	[tilespmem:s21], [sflag:$0x5] =	stream.indirect.gather [hbm4b:s4+s15], $0x80, s28, s15, $0xb8;
	[tilespmem:$0x18200] =	vst v63  }
0x79: {  	_ =	swait.ge [sflag:s30], $0x4000  }
0x7a: {  	[sflag:s30] =	ssyncset.done $0x0  }
0x7b: {  	s1 =	rddreg [dreg:$0x9];
	[sflag:s30] =	ssyncadd.s32 $0xFFFFC000  }
0x7c: {  	[hbm4b:s1+s2] =	stream.linear.scatter [tilespmem:s26], [sflag:$0x9], $0x4000, $0x38;
	[tilespmem:$0x18200] =	vst v63  }
0x7d: {  	_ = 	snop  }
0x7e: {  	[tilespmem:s20], [sflag:$0x6] =	stream.indirect.gather [hbm4b:s3+s15], $0x80, s28, s15, $0xb8;
	[tilespmem:$0x18200] =	vst v63  }
0x7f: {  	_ =	swait.ge [sflag:s29], $0x4000  }
0x80: {  	[sflag:s29] =	ssyncset.done $0x0  }
0x81: {  	s1 =	rddreg [dreg:$0xa];
	[sflag:s29] =	ssyncadd.s32 $0xFFFFC000  }
0x82: {  	[hbm4b:s1+s2] =	stream.linear.scatter [tilespmem:s24], [sflag:$0xA], $0x4000, $0x38;
	[tilespmem:$0x18200] =	vst v63  }
0x83: {  	_ =	swait.ge [sflag:s6], $0x4000  }
0x84: {  	[sflag:s6] =	ssyncset.done $0x0  }
0x85: {  	[sflag:s6] =	ssyncadd.s32 $0xFFFFC000  }
0x86: {  	[tilespmem:s11], [sflag:$0x1] =	stream.indirect.gather [hbm4b:s4+s15], $0x80, s22, s15, $0xb8;
	[tilespmem:$0x18200] =	vst v63  }
0x87: {  	_ =	swait.ge [sflag:s25], $0x4000  }
0x88: {  	[sflag:s25] =	ssyncset.done $0x0  }
0x89: {  	[sflag:s25] =	ssyncadd.s32 $0xFFFFC000  }
0x8a: {  	[hbm4b:s13+s2] =	stream.linear.scatter [tilespmem:s21], [sflag:$0xB], $0x4000, $0x38;
	[tilespmem:$0x18200] =	vst v63  }
0x8b: {  	_ =	swait.ge [sflag:s8], $0x4000  }
0x8c: {  	[sflag:s8] =	ssyncset.done $0x0  }
0x8d: {  	[sflag:s8] =	ssyncadd.s32 $0xFFFFC000  }
0x8e: {  	[tilespmem:s9], [sflag:$0x2] =	stream.indirect.gather [hbm4b:s3+s15], $0x80, s22, s15, $0xb8;
	[tilespmem:$0x18200] =	vst v63  }
0x8f: {  	_ =	swait.ge [sflag:s23], $0x4000  }
0x90: {  	[sflag:s23] =	ssyncset.done $0x0  }
0x91: {  	[sflag:s23] =	ssyncadd.s32 $0xFFFFC000  }
0x92: {  	[hbm4b:s10+s2] =	stream.linear.scatter [tilespmem:s20], [sflag:$0xC], $0x4000, $0x38;
	[tilespmem:$0x18200] =	vst v63  }
0x93: {  	_ =	swait.ge [sflag:s14], $0x4000  }
0x94: {  	[sflag:s14] =	ssyncset.done $0x0  }
0x95: {  	[sflag:s14] =	ssyncadd.s32 $0xFFFFC000  }
0x96: {  	[hbm4b:s7+s2] =	stream.linear.scatter [tilespmem:s11], [sflag:$0x7], $0x4000, $0x38;
	[tilespmem:$0x18200] =	vst v63  }
0x97: {  	_ =	swait.ge [sflag:s12], $0x4000  }
0x98: {  	[sflag:s12] =	ssyncset.done $0x0  }
0x99: {  	[sflag:s12] =	ssyncadd.s32 $0xFFFFC000  }
0x9a: {  	[hbm4b:s5+s2] =	stream.linear.scatter [tilespmem:s9], [sflag:$0x8], $0x4000, $0x38;
	[tilespmem:$0x18200] =	vst v63  }
0x9b: {  	_ =	swait.ge [sflag:s19], $0x4000  }
0x9c: {  	[sflag:s19] =	ssyncset.done $0x0  }
0x9d: {  	[sflag:s19] =	ssyncadd.s32 $0xFFFFC000  }
0x9e: {  	_ =	swait.ge [sflag:s18], $0x4000  }
0x9f: {  	[sflag:s18] =	ssyncset.done $0x0  }
0xa0: {  	[sflag:s18] =	ssyncadd.s32 $0xFFFFC000  }
0xa1: {  	_ =	swait.ge [sflag:s17], $0x4000  }
0xa2: {  	[sflag:s17] =	ssyncset.done $0x0  }
0xa3: {  	[sflag:s17] =	ssyncadd.s32 $0xFFFFC000  }
0xa4: {  	_ =	swait.ge [sflag:s16], $0x4000  }
0xa5: {  	[sflag:s16] =	ssyncset.done $0x0  }
0xa6: {  	p1 =	sne.s32 s0, $0x1;
	[sflag:s16] =	ssyncadd.s32 $0xFFFFC000  }
.Ltmp2:
0xa7: {  	_ =	swait.ge [sflag:s6], $0x4000;
	(pc) =	sbr.rel @p1 .LBB2_2-.Ltmp2, $4  }
0xa8: {  	[sflag:s6] =	ssyncset.done $0x0  }
0xa9: {  	[sflag:s6] =	ssyncadd.s32 $0xFFFFC000  }
0xaa: {  	_ =	swait.ge [sflag:s8], $0x4000  }
0xab: {  	s0 =	sadd.s32 $0xFFFFFFFF, s0;
	s1 =	rddreg [dreg:$0x6];
	[sflag:s8] =	ssyncset.done $0x0  }
.LBB2_3:
0xac: {  	[sflag:s8] =	ssyncadd.s32 @p0 $0xFFFFC000  }
0xad: {  	[tilespmem:s2], [sflag:$0xD] =	stream.strided.gather [hbm4b:s1+s15], $0x200, s11, s15, $0x38;
	[tilespmem:$0x18200] =	vst v63  }
0xae: {  	_ =	swait.ge [sflag:s31], $0x200  }
0xaf: {  	[sflag:s31] =	ssyncset.done $0x0  }
0xb0: {  	[sflag:s31] =	ssyncadd.s32 $0xFFFFFE00  }
0xb1: {  	[tilespmem:s11], [sflag:$0x1] =	stream.indirect.gather [hbm4b:s4+s15], $0x80, s2, s15, $0xb8;
	[tilespmem:$0x18200] =	vst v63  }
0xb2: {  	_ = 	snop  }
0xb3: {  	[tilespmem:s9], [sflag:$0x2] =	stream.indirect.gather [hbm4b:s3+s15], $0x80, s2, s15, $0xb8;
	[tilespmem:$0x18200] =	vst v63  }
0xb4: {  	_ = 	snop  }
0xb5: {  	[tilespmem:s26], [sflag:$0x3] =	stream.indirect.gather [hbm4b:s4+s15], $0x80, s15, s15, $0xb8;
	[tilespmem:$0x18200] =	vst v63  }
0xb6: {  	_ =	swait.ge [sflag:s14], $0x4000  }
0xb7: {  	[sflag:s14] =	ssyncset.done $0x0  }
0xb8: {  	s0 =	rddreg [dreg:$0x7];
	[sflag:s14] =	ssyncadd.s32 $0xFFFFC000  }
0xb9: {  	[hbm4b:s0+s2] =	stream.linear.scatter [tilespmem:s11], [sflag:$0x7], $0x4000, $0x38;
	[tilespmem:$0x18200] =	vst v63  }
0xba: {  	_ = 	snop  }
0xbb: {  	[tilespmem:s24], [sflag:$0x4] =	stream.indirect.gather [hbm4b:s3+s15], $0x80, s15, s15, $0xb8;
	[tilespmem:$0x18200] =	vst v63  }
0xbc: {  	_ =	swait.ge [sflag:s12], $0x4000  }
0xbd: {  	[sflag:s12] =	ssyncset.done $0x0  }
0xbe: {  	s31 =	rddreg [dreg:$0x8];
	[sflag:s12] =	ssyncadd.s32 $0xFFFFC000  }
0xbf: {  	[hbm4b:s31+s2] =	stream.linear.scatter [tilespmem:s9], [sflag:$0x8], $0x4000, $0x38;
	[tilespmem:$0x18200] =	vst v63  }
0xc0: {  	_ = 	snop  }
0xc1: {  	[tilespmem:s21], [sflag:$0x5] =	stream.indirect.gather [hbm4b:s4+s15], $0x80, s28, s15, $0xb8;
	[tilespmem:$0x18200] =	vst v63  }
0xc2: {  	_ =	swait.ge [sflag:s30], $0x4000  }
0xc3: {  	[sflag:s30] =	ssyncset.done $0x0  }
0xc4: {  	s1 =	rddreg [dreg:$0x9];
	[sflag:s30] =	ssyncadd.s32 $0xFFFFC000  }
0xc5: {  	[hbm4b:s1+s2] =	stream.linear.scatter [tilespmem:s26], [sflag:$0x9], $0x4000, $0x38;
	[tilespmem:$0x18200] =	vst v63  }
0xc6: {  	_ = 	snop  }
0xc7: {  	[tilespmem:s20], [sflag:$0x6] =	stream.indirect.gather [hbm4b:s3+s15], $0x80, s28, s15, $0xb8;
	[tilespmem:$0x18200] =	vst v63  }
0xc8: {  	_ =	swait.ge [sflag:s29], $0x4000  }
0xc9: {  	[sflag:s29] =	ssyncset.done $0x0  }
0xca: {  	s30 =	rddreg [dreg:$0xa];
	[sflag:s29] =	ssyncadd.s32 $0xFFFFC000  }
0xcb: {  	[hbm4b:s30+s2] =	stream.linear.scatter [tilespmem:s24], [sflag:$0xA], $0x4000, $0x38;
	[tilespmem:$0x18200] =	vst v63  }
0xcc: {  	_ =	swait.ge [sflag:s6], $0x4000  }
0xcd: {  	[sflag:s6] =	ssyncset.done $0x0  }
0xce: {  	[sflag:s6] =	ssyncadd.s32 $0xFFFFC000  }
0xcf: {  	[tilespmem:s11], [sflag:$0x1] =	stream.indirect.gather [hbm4b:s4+s15], $0x80, s22, s15, $0xb8;
	[tilespmem:$0x18200] =	vst v63  }
0xd0: {  	_ =	swait.ge [sflag:s25], $0x4000  }
0xd1: {  	[sflag:s25] =	ssyncset.done $0x0  }
0xd2: {  	[sflag:s25] =	ssyncadd.s32 $0xFFFFC000  }
0xd3: {  	[hbm4b:s13+s2] =	stream.linear.scatter [tilespmem:s21], [sflag:$0xB], $0x4000, $0x38;
	[tilespmem:$0x18200] =	vst v63  }
0xd4: {  	_ =	swait.ge [sflag:s8], $0x4000  }
0xd5: {  	[sflag:s8] =	ssyncset.done $0x0  }
0xd6: {  	[sflag:s8] =	ssyncadd.s32 $0xFFFFC000  }
0xd7: {  	[tilespmem:s9], [sflag:$0x2] =	stream.indirect.gather [hbm4b:s3+s15], $0x80, s22, s15, $0xb8;
	[tilespmem:$0x18200] =	vst v63  }
0xd8: {  	_ =	swait.ge [sflag:s23], $0x4000  }
0xd9: {  	[sflag:s23] =	ssyncset.done $0x0  }
0xda: {  	[sflag:s23] =	ssyncadd.s32 $0xFFFFC000  }
0xdb: {  	[hbm4b:s10+s2] =	stream.linear.scatter [tilespmem:s20], [sflag:$0xC], $0x4000, $0x38;
	[tilespmem:$0x18200] =	vst v63  }
0xdc: {  	_ =	swait.ge [sflag:s14], $0x4000  }
0xdd: {  	[sflag:s14] =	ssyncset.done $0x0  }
0xde: {  	[sflag:s14] =	ssyncadd.s32 $0xFFFFC000  }
0xdf: {  	[hbm4b:s7+s2] =	stream.linear.scatter [tilespmem:s11], [sflag:$0x7], $0x4000, $0x38;
	[tilespmem:$0x18200] =	vst v63  }
0xe0: {  	_ =	swait.ge [sflag:s12], $0x4000  }
0xe1: {  	[sflag:s12] =	ssyncset.done $0x0  }
0xe2: {  	[sflag:s12] =	ssyncadd.s32 $0xFFFFC000  }
0xe3: {  	[hbm4b:s5+s2] =	stream.linear.scatter [tilespmem:s9], [sflag:$0x8], $0x4000, $0x38;
	[tilespmem:$0x18200] =	vst v63  }
0xe4: {  	_ =	swait.ge [sflag:s19], $0x4000  }
0xe5: {  	[sflag:s19] =	ssyncset.done $0x0  }
0xe6: {  	[sflag:s19] =	ssyncadd.s32 $0xFFFFC000  }
0xe7: {  	_ =	swait.ge [sflag:s18], $0x4000  }
0xe8: {  	[sflag:s18] =	ssyncset.done $0x0  }
0xe9: {  	[sflag:s18] =	ssyncadd.s32 $0xFFFFC000  }
0xea: {  	_ =	swait.ge [sflag:s17], $0x4000  }
0xeb: {  	[sflag:s17] =	ssyncset.done $0x0  }
0xec: {  	[sflag:s17] =	ssyncadd.s32 $0xFFFFC000  }
0xed: {  	_ =	swait.ge [sflag:s16], $0x4000  }
0xee: {  	[sflag:s16] =	ssyncset.done $0x0  }
0xef: {  	[sflag:s16] =	ssyncadd.s32 $0xFFFFC000  }
0xf0: {  	_ =	swait.ge [sflag:s6], $0x4000  }
0xf1: {  	[sflag:s6] =	ssyncset.done $0x0  }
0xf2: {  	[sflag:s6] =	ssyncadd.s32 $0xFFFFC000  }
0xf3: {  	_ =	swait.ge [sflag:s8], $0x4000  }
0xf4: {  	[sflag:s8] =	ssyncset.done $0x0  }
0xf5: {  	[sflag:s8] =	ssyncadd.s32 $0xFFFFC000  }
0xf6: {  	_ =	sfence.sel $0x180000  }
0xf7: {  	[bflag:$0x0] =	sbarrier.arrive $0xFFFF  }
0xf8: {  	_ =	strace $0x90000047  }
0xf9: {  	s31 =	stileid.u32;
	[bflag:$0x2] =	sbarrier.arrive $0xFFFF  }
0xfa: {  	p0 =	sne.s32 s31, $0x0;
	s0 =	rddreg [dreg:$0x5]  }
0xfb: {  	s0 =	sadd.s32 @!p0 $0x100000, s0  }
0xfc: {  	[sflag:s0] =	ssyncadd.tile.s32 @!p0 $0x1;
	_ =	shalt  }
.Lfunc_end2:
_tile_overlayer_lowered:
.L_overlay_start_2:
0xfd: {  	(tag) =	ssettag $0x2  }
0xfe: {  	s0 =	rddreg [dreg:$0x0];
	s2 =	stileid.u32  }
0xff: {  	s1 =	rddreg [dreg:$0x1];
	p0 =	sne.s32 s2, $0x0  }
0x100: {  	s3 =	rddreg [dreg:$0x2];
	[bflag:$0x3] =	sbarrier.arrive $0xFFFF;
	s2 =	simm.s32 @!p0 $0x1C0D  }
0x101: {  	[timem:s3], [sflag:s2] =	dma.local @!p0 [hbm:s0], s1  }
0x102: {  	s0 =	simm.s32 @!p0 $0xD  }
0x103: {  	_ =	swait.ge @!p0 [sflag:s0], s1  }
0x104: {  	s1 =	ssub.s32 @!p0 $0x0, s1;
	[sflag:s0] =	ssyncset.done @!p0 $0x0  }
0x105: {  	[sflag:s0] =	ssyncadd.s32 @!p0 s1  }
0x106: {  	[bflag:$0x3] =	sbarrier.arrive $0xFFFF  }
0x107: {  	_ =	shalt  }

</sc_bundles>
